<compile_context>
chip_gen: v7x
topology: tpu7x:2x2x1
jax: 0.10.2.dev20260603
libtpu: 0.0.44.dev20260713+nightly
codegen_flags: <defaults>
</compile_context>

<pallas_src>
import functools

import jax
import jax.numpy as jnp
from jax import lax
from jax.experimental import pallas as pl
from jax.experimental.pallas import tpu as pltpu
from jax.experimental.pallas import tpu_sc as plsc

_PAD_ID = 0
_UNK_ID = 1
_OFFSET = 32000
_EPS = 1e-20

_B, _T, _V = 2, 2048, 32104
_R = _B * _T
_L = 16
_NC, _NS = 2, 16
_NW = _NC * _NS
_RPW = _R // _NW
_VQ = _V // 8
_TQ = _T // 128


def _sc_final_prob(probf, al, tg):
    mesh = plsc.VectorSubcoreMesh(core_axis_name="c", subcore_axis_name="s")

    @functools.partial(
        pl.kernel,
        out_type=jax.ShapeDtypeStruct((_R,), jnp.float32),
        mesh=mesh,
        scratch_types=[
            pltpu.VMEM((_RPW,), jnp.int32),
            pltpu.VMEM((_RPW,), jnp.int32),
            pltpu.VMEM((_RPW,), jnp.int32),
            pltpu.VMEM((_RPW,), jnp.int32),
            pltpu.VMEM((_RPW,), jnp.float32),
            pltpu.VMEM((_RPW,), jnp.float32),
            pltpu.VMEM((_RPW,), jnp.float32),
            pltpu.SemaphoreType.DMA,
        ],
    )
    def k(probf_hbm, al_hbm, tg_hbm, out_hbm,
          al_v, tg_v, idx1_v, idx2_v, val1_v, val2_v, out_v, sem):
        wid = lax.axis_index("s") * _NC + lax.axis_index("c")
        b = wid // (_NW // _B)
        tq = wid % (_NW // _B)
        base = wid * _RPW
        pltpu.sync_copy(al_hbm.at[tq, b, :], al_v)
        pltpu.sync_copy(tg_hbm.at[tq, b, :], tg_v)

        tile0 = (b * _VQ * _TQ + tq) * 1024
        for j in range(_RPW // _L):
            sl = pl.ds(j * _L, _L)
            col = j * _L + lax.iota(jnp.int32, _L)
            ve = al_v[sl] + _OFFSET
            vo = tg_v[sl]
            idx1_v[sl] = tile0 + (ve >> 3) * (_TQ * 1024) + (ve & 7) * 128 + col
            idx2_v[sl] = tile0 + (vo >> 3) * (_TQ * 1024) + (vo & 7) * 128 + col

        c1 = pltpu.async_copy(probf_hbm.at[idx1_v], val1_v, sem)
        c2 = pltpu.async_copy(probf_hbm.at[idx2_v], val2_v, sem)
        c1.wait()
        c2.wait()

        for j in range(_RPW // _L):
            sl = pl.ds(j * _L, _L)
            alc = al_v[sl]
            tgc = tg_v[sl]
            g1 = val1_v[sl]
            g2 = val2_v[sl]
            al_unk = alc == _UNK_ID
            tg_unk = tgc == _UNK_ID
            extra = jnp.where(al_unk, 0.0, g1) + _EPS
            fp = extra + jnp.where(tg_unk, 0.0, g2)
            fp = fp + jnp.where(al_unk & tg_unk, g2, 0.0)
            out_v[sl] = jnp.where(tgc == _PAD_ID, 1.0, fp)

        pltpu.sync_copy(out_v, out_hbm.at[pl.ds(base, _RPW)])

    return k(probf, al, tg)


def _tc_neg_log_sum(fp):

    def body(fp_ref, out_ref):
        out_ref[0, 0] = -jnp.sum(jnp.log(fp_ref[...]))

    out = pl.pallas_call(
        body,
        out_shape=jax.ShapeDtypeStruct((1, 1), jnp.float32),
        in_specs=[pl.BlockSpec(memory_space=pltpu.VMEM)],
        out_specs=pl.BlockSpec(memory_space=pltpu.SMEM),
    )(fp.reshape(_R // 128, 128))
    return out[0, 0]


def kernel(prob, alignment, target):
    probf = prob.reshape(_B, _TQ, 128, _VQ, 8).transpose(0, 3, 1, 4, 2)
    probf = probf.reshape(_B * _V * _T)
    al3 = alignment.reshape(_B, _TQ, 128).transpose(1, 0, 2)
    tg3 = target.reshape(_B, _TQ, 128).transpose(1, 0, 2)
    fp = _sc_final_prob(probf, al3, tg3)
    return _tc_neg_log_sum(fp)

# --- scband reference (transcript-rebuilt; emitter-appended) ---
"""Pipeline reference for scband-copy-generator-loss-51513837748603 (READ-ONLY COPY).

The authoritative reference and input builder live on the scoring server;
editing this copy changes nothing except your own understanding.
"""

import jax, jax.numpy as jnp
import numpy as np

PAD_ID = 0
UNK_ID = 1
OFFSET = 32000
EPS = 1e-20


def setup_inputs(seed: int = 0) -> dict:
    key = jax.random.key(seed)
    k1, k2, k3 = jax.random.split(key, 3)
    prob = jax.random.uniform(k1, (2, 2048, 32104), dtype=jnp.float32)
    alignment = jax.random.randint(k2, (2, 2048), 0, 104, dtype=jnp.int64 if jax.config.jax_enable_x64 else jnp.int32).astype(jnp.int32)
    target = jax.random.randint(k3, (2, 2048), 0, 32000, dtype=jnp.int64 if jax.config.jax_enable_x64 else jnp.int32).astype(jnp.int32)
    return {"prob": prob, "alignment": alignment, "target": target}


def reference(prob, alignment, target):
    batch_size, trg_len = target.shape
    target_not_pad = (target != PAD_ID)
    total_vocab_size = prob.shape[-1]
    prob_f = prob.reshape(-1, total_vocab_size)
    al = alignment.reshape(-1)
    tg = target.reshape(-1)
    alignment_unk = (al == UNK_ID)
    alignment_not_unk = (al != UNK_ID)
    target_unk = (tg == UNK_ID)
    target_not_unk = (tg != UNK_ID)
    extra_select_probs = jnp.take_along_axis(prob_f, (al + OFFSET)[:, None], axis=1).reshape(-1)
    extra_select_probs = extra_select_probs * alignment_not_unk.astype(prob.dtype) + EPS
    origin_select_probs = jnp.take_along_axis(prob_f, tg[:, None], axis=1).reshape(-1)
    # force_copy = False branch
    final_prob = extra_select_probs + origin_select_probs * target_not_unk.astype(prob.dtype)
    final_prob = final_prob + origin_select_probs * alignment_unk.astype(prob.dtype) * target_unk.astype(prob.dtype)
    loss = (-jnp.log(final_prob)).reshape(batch_size, trg_len)
    loss = loss * target_not_pad.astype(prob.dtype)
    batch_loss = jnp.sum(loss)
    return batch_loss

if __name__ == "__main__":
    import jax
    _d = setup_inputs()
    print(jax.jit(kernel)(*tuple(_d.values())))

</pallas_src>

<mosaic_0001>
#map = affine_map<(d0, d1) -> (0)>
#map1 = affine_map<(d0, d1) -> (0, 0, 0)>
module attributes {stable_mosaic.version = 14 : i64} {
  func.func @k(%arg0: i32, %arg1: i32, %arg2: memref<131497984xf32, #tpu.memory_space<hbm>>, %arg3: memref<16x2x128xi32, #tpu.memory_space<hbm>>, %arg4: memref<16x2x128xi32, #tpu.memory_space<hbm>>, %arg5: memref<4096xf32, #tpu.memory_space<hbm>>, %arg6: memref<128xi32, #tpu.memory_space<vmem>>, %arg7: memref<128xi32, #tpu.memory_space<vmem>>, %arg8: memref<128xi32, #tpu.memory_space<vmem>>, %arg9: memref<128xi32, #tpu.memory_space<vmem>>, %arg10: memref<128xf32, #tpu.memory_space<vmem>>, %arg11: memref<128xf32, #tpu.memory_space<vmem>>, %arg12: memref<128xf32, #tpu.memory_space<vmem>>, %arg13: memref<!tpu.dma_semaphore, #tpu.memory_space<semaphore_mem>>) attributes {dimension_semantics = [#tpu.dimension_semantics<core_parallel>, #tpu.dimension_semantics<subcore_parallel>], iteration_bounds = array<i64: 2, 16>, scalar_prefetch = 0 : i64, scratch_operands = 8 : i64, tpu.core_type = #tpu.core_type<sc_vector_subcore>, window_params = [{transform_indices = #map}, {transform_indices = #map1}, {transform_indices = #map1}, {transform_indices = #map}]} {
    %mul3A = arith.constant 2 : i32
    %mul3A_0 = arith.muli %arg1, %mul3A : i32
    %add3A = arith.addi %mul3A_0, %arg0 : i32
    %jit3A = arith.constant 16 : i32
    %div3A = arith.divsi %add3A, %jit3A : i32
    %sign3A = arith.constant 0 : i32
    %sign3A_1 = arith.cmpi sgt, %add3A, %sign3A : i32
    %sign3A_2 = arith.extui %sign3A_1 : i1 to i32
    %sign3A_3 = arith.constant 0 : i32
    %sign3A_4 = arith.cmpi slt, %add3A, %sign3A_3 : i32
    %sign3A_5 = arith.extui %sign3A_4 : i1 to i32
    %sign3A_6 = arith.subi %sign3A_2, %sign3A_5 : i32
    %sign3A_7 = arith.constant 0 : i32
    %sign3A_8 = arith.cmpi sgt, %jit3A, %sign3A_7 : i32
    %sign3A_9 = arith.extui %sign3A_8 : i1 to i32
    %sign3A_10 = arith.constant 0 : i32
    %sign3A_11 = arith.cmpi slt, %jit3A, %sign3A_10 : i32
    %sign3A_12 = arith.extui %sign3A_11 : i1 to i32
    %sign3A_13 = arith.subi %sign3A_9, %sign3A_12 : i32
    %ne3A = arith.cmpi ne, %sign3A_6, %sign3A_13 : i32
    %rem3A = arith.remsi %add3A, %jit3A : i32
    %ne3A_14 = arith.constant 0 : i32
    %ne3A_15 = arith.cmpi ne, %rem3A, %ne3A_14 : i32
    %and3A = arith.andi %ne3A, %ne3A_15 : i1
    %sub3A = arith.constant 1 : i32
    %sub3A_16 = arith.subi %div3A, %sub3A : i32
    %select_n3A = arith.select %and3A, %sub3A_16, %div3A : i32
    %jit3A_17 = arith.constant 16 : i32
    %eq3A = arith.constant 0 : i32
    %eq3A_18 = arith.cmpi eq, %jit3A_17, %eq3A : i32
    %jit3A_19 = arith.constant 1 : i32
    %select_n3A_20 = arith.select %eq3A_18, %jit3A_19, %jit3A_17 : i32
    %rem3A_21 = arith.remsi %add3A, %select_n3A_20 : i32
    %ne3A_22 = arith.constant 0 : i32
    %ne3A_23 = arith.cmpi ne, %rem3A_21, %ne3A_22 : i32
    %lt3A = arith.constant 0 : i32
    %lt3A_24 = arith.cmpi slt, %rem3A_21, %lt3A : i32
    %lt3A_25 = arith.constant 0 : i32
    %lt3A_26 = arith.cmpi slt, %select_n3A_20, %lt3A_25 : i32
    %ne3A_27 = arith.xori %lt3A_24, %lt3A_26 : i1
    %and3A_28 = arith.andi %ne3A_27, %ne3A_23 : i1
    %add3A_29 = arith.addi %rem3A_21, %select_n3A_20 : i32
    %select_n3A_30 = arith.select %and3A_28, %add3A_29, %rem3A_21 : i32
    %mul3A_31 = arith.constant 128 : i32
    %mul3A_32 = arith.muli %add3A, %mul3A_31 : i32
    "tpu.region"() ({
      %run_scoped3A = tpu.sem_alloc : memref<!tpu.dma_semaphore, #tpu.memory_space<semaphore_mem>>
      %dma_start3A_809 = arith.constant 0 : i32
      %dma_start3A_810 = tpu.memref_slice %arg3[%select_n3A_30, %select_n3A, %dma_start3A_809] : memref<16x2x128xi32, #tpu.memory_space<hbm>> -> memref<1x1x128xi32, #tpu.memory_space<hbm>>
      %dma_start3A_811 = tpu.memref_squeeze %dma_start3A_810 : memref<1x1x128xi32, #tpu.memory_space<hbm>> -> memref<128xi32, #tpu.memory_space<hbm>>
      %dma_start3A_812 = arith.constant 0 : i32
      %dma_start3A_813 = tpu.memref_slice %arg3[%select_n3A_30, %select_n3A, %dma_start3A_812] : memref<16x2x128xi32, #tpu.memory_space<hbm>> -> memref<1x1x128xi32, #tpu.memory_space<hbm>>
      %dma_start3A_814 = tpu.memref_squeeze %dma_start3A_813 : memref<1x1x128xi32, #tpu.memory_space<hbm>> -> memref<128xi32, #tpu.memory_space<hbm>>
      tpu.enqueue_dma source(%dma_start3A_814 : memref<128xi32, #tpu.memory_space<hbm>>) target(%arg6 : memref<128xi32, #tpu.memory_space<vmem>>) target_semaphore(%run_scoped3A : memref<!tpu.dma_semaphore, #tpu.memory_space<semaphore_mem>>)
      %dma_wait3A_815 = arith.constant 0 : i32
      %dma_wait3A_816 = tpu.memref_slice %arg3[%select_n3A_30, %select_n3A, %dma_wait3A_815] : memref<16x2x128xi32, #tpu.memory_space<hbm>> -> memref<1x1x128xi32, #tpu.memory_space<hbm>>
      %dma_wait3A_817 = tpu.memref_squeeze %dma_wait3A_816 : memref<1x1x128xi32, #tpu.memory_space<hbm>> -> memref<128xi32, #tpu.memory_space<hbm>>
      %dma_wait3A_818 = arith.constant 0 : i32
      %dma_wait3A_819 = tpu.memref_slice %arg3[%select_n3A_30, %select_n3A, %dma_wait3A_818] : memref<16x2x128xi32, #tpu.memory_space<hbm>> -> memref<1x1x128xi32, #tpu.memory_space<hbm>>
      %dma_wait3A_820 = tpu.memref_squeeze %dma_wait3A_819 : memref<1x1x128xi32, #tpu.memory_space<hbm>> -> memref<128xi32, #tpu.memory_space<hbm>>
      tpu.wait_dma2 semaphore(%run_scoped3A : memref<!tpu.dma_semaphore, #tpu.memory_space<semaphore_mem>>) src(%dma_wait3A_820 : memref<128xi32, #tpu.memory_space<hbm>>) dst(%arg6 : memref<128xi32, #tpu.memory_space<vmem>>)
      tpu.yield
    }) : () -> ()
    "tpu.region"() ({
      %run_scoped3A = tpu.sem_alloc : memref<!tpu.dma_semaphore, #tpu.memory_space<semaphore_mem>>
      %dma_start3A_809 = arith.constant 0 : i32
      %dma_start3A_810 = tpu.memref_slice %arg4[%select_n3A_30, %select_n3A, %dma_start3A_809] : memref<16x2x128xi32, #tpu.memory_space<hbm>> -> memref<1x1x128xi32, #tpu.memory_space<hbm>>
      %dma_start3A_811 = tpu.memref_squeeze %dma_start3A_810 : memref<1x1x128xi32, #tpu.memory_space<hbm>> -> memref<128xi32, #tpu.memory_space<hbm>>
      %dma_start3A_812 = arith.constant 0 : i32
      %dma_start3A_813 = tpu.memref_slice %arg4[%select_n3A_30, %select_n3A, %dma_start3A_812] : memref<16x2x128xi32, #tpu.memory_space<hbm>> -> memref<1x1x128xi32, #tpu.memory_space<hbm>>
      %dma_start3A_814 = tpu.memref_squeeze %dma_start3A_813 : memref<1x1x128xi32, #tpu.memory_space<hbm>> -> memref<128xi32, #tpu.memory_space<hbm>>
      tpu.enqueue_dma source(%dma_start3A_814 : memref<128xi32, #tpu.memory_space<hbm>>) target(%arg7 : memref<128xi32, #tpu.memory_space<vmem>>) target_semaphore(%run_scoped3A : memref<!tpu.dma_semaphore, #tpu.memory_space<semaphore_mem>>)
      %dma_wait3A_815 = arith.constant 0 : i32
      %dma_wait3A_816 = tpu.memref_slice %arg4[%select_n3A_30, %select_n3A, %dma_wait3A_815] : memref<16x2x128xi32, #tpu.memory_space<hbm>> -> memref<1x1x128xi32, #tpu.memory_space<hbm>>
      %dma_wait3A_817 = tpu.memref_squeeze %dma_wait3A_816 : memref<1x1x128xi32, #tpu.memory_space<hbm>> -> memref<128xi32, #tpu.memory_space<hbm>>
      %dma_wait3A_818 = arith.constant 0 : i32
      %dma_wait3A_819 = tpu.memref_slice %arg4[%select_n3A_30, %select_n3A, %dma_wait3A_818] : memref<16x2x128xi32, #tpu.memory_space<hbm>> -> memref<1x1x128xi32, #tpu.memory_space<hbm>>
      %dma_wait3A_820 = tpu.memref_squeeze %dma_wait3A_819 : memref<1x1x128xi32, #tpu.memory_space<hbm>> -> memref<128xi32, #tpu.memory_space<hbm>>
      tpu.wait_dma2 semaphore(%run_scoped3A : memref<!tpu.dma_semaphore, #tpu.memory_space<semaphore_mem>>) src(%dma_wait3A_820 : memref<128xi32, #tpu.memory_space<hbm>>) dst(%arg7 : memref<128xi32, #tpu.memory_space<vmem>>)
      tpu.yield
    }) : () -> ()
    %mul3A_33 = arith.constant 4013 : i32
    %mul3A_34 = arith.muli %select_n3A, %mul3A_33 : i32
    %mul3A_35 = arith.constant 16 : i32
    %mul3A_36 = arith.muli %mul3A_34, %mul3A_35 : i32
    %add3A_37 = arith.addi %mul3A_36, %select_n3A_30 : i32
    %mul3A_38 = arith.constant 1024 : i32
    %mul3A_39 = arith.muli %add3A_37, %mul3A_38 : i32
    %iota3A = tpu.iota {dimensions = array<i32: 0>} : vector<16xi32>
    %add3A_40 = arith.constant 0 : i32
    %add3A_41 = vector.broadcast %add3A_40 : i32 to vector<16xi32>
    %add3A_42 = arith.addi %add3A_41, %iota3A : vector<16xi32>
    %get3A = arith.constant 0 : index
    %get3A_43 = tpu.vector_load %arg6[%get3A] {strides = array<i32>} : memref<128xi32, #tpu.memory_space<vmem>>, vector<16xi32>,
    %get3A_44 = vector.shape_cast %get3A_43 : vector<16xi32> to vector<16xi32>
    %add3A_45 = arith.constant 32000 : i32
    %add3A_46 = vector.broadcast %add3A_45 : i32 to vector<16xi32>
    %add3A_47 = arith.addi %get3A_44, %add3A_46 : vector<16xi32>
    %get3A_48 = arith.constant 0 : index
    %get3A_49 = tpu.vector_load %arg7[%get3A_48] {strides = array<i32>} : memref<128xi32, #tpu.memory_space<vmem>>, vector<16xi32>,
    %get3A_50 = vector.shape_cast %get3A_49 : vector<16xi32> to vector<16xi32>
    %shift_right_arithmetic3A = arith.constant 3 : i32
    %shift_right_arithmetic3A_51 = vector.broadcast %shift_right_arithmetic3A : i32 to vector<16xi32>
    %shift_right_arithmetic3A_52 = arith.shrsi %add3A_47, %shift_right_arithmetic3A_51 : vector<16xi32>
    %mul3A_53 = arith.constant 16384 : i32
    %mul3A_54 = vector.broadcast %mul3A_53 : i32 to vector<16xi32>
    %mul3A_55 = arith.muli %shift_right_arithmetic3A_52, %mul3A_54 : vector<16xi32>
    %add3A_56 = vector.broadcast %mul3A_39 : i32 to vector<16xi32>
    %add3A_57 = arith.addi %add3A_56, %mul3A_55 : vector<16xi32>
    %and3A_58 = arith.constant 7 : i32
    %and3A_59 = vector.broadcast %and3A_58 : i32 to vector<16xi32>
    %and3A_60 = arith.andi %add3A_47, %and3A_59 : vector<16xi32>
    %mul3A_61 = arith.constant 128 : i32
    %mul3A_62 = vector.broadcast %mul3A_61 : i32 to vector<16xi32>
    %mul3A_63 = arith.muli %and3A_60, %mul3A_62 : vector<16xi32>
    %add3A_64 = arith.addi %add3A_57, %mul3A_63 : vector<16xi32>
    %add3A_65 = arith.addi %add3A_64, %add3A_42 : vector<16xi32>
    %swap3A = arith.constant 0 : index
    %swap3A_66 = tpu.vector_load %arg8[%swap3A] {strides = array<i32>} : memref<128xi32, #tpu.memory_space<vmem>>, vector<16xi32>,
    %swap3A_67 = vector.shape_cast %swap3A_66 : vector<16xi32> to vector<16xi32>
    %swap3A_68 = vector.shape_cast %add3A_65 : vector<16xi32> to vector<16xi32>
    tpu.vector_store %arg8[%swap3A], %swap3A_68 {strides = array<i32>} : memref<128xi32, #tpu.memory_space<vmem>>, vector<16xi32>,
    %shift_right_arithmetic3A_69 = arith.constant 3 : i32
    %shift_right_arithmetic3A_70 = vector.broadcast %shift_right_arithmetic3A_69 : i32 to vector<16xi32>
    %shift_right_arithmetic3A_71 = arith.shrsi %get3A_50, %shift_right_arithmetic3A_70 : vector<16xi32>
    %mul3A_72 = arith.constant 16384 : i32
    %mul3A_73 = vector.broadcast %mul3A_72 : i32 to vector<16xi32>
    %mul3A_74 = arith.muli %shift_right_arithmetic3A_71, %mul3A_73 : vector<16xi32>
    %add3A_75 = vector.broadcast %mul3A_39 : i32 to vector<16xi32>
    %add3A_76 = arith.addi %add3A_75, %mul3A_74 : vector<16xi32>
    %and3A_77 = arith.constant 7 : i32
    %and3A_78 = vector.broadcast %and3A_77 : i32 to vector<16xi32>
    %and3A_79 = arith.andi %get3A_50, %and3A_78 : vector<16xi32>
    %mul3A_80 = arith.constant 128 : i32
    %mul3A_81 = vector.broadcast %mul3A_80 : i32 to vector<16xi32>
    %mul3A_82 = arith.muli %and3A_79, %mul3A_81 : vector<16xi32>
    %add3A_83 = arith.addi %add3A_76, %mul3A_82 : vector<16xi32>
    %add3A_84 = arith.addi %add3A_83, %add3A_42 : vector<16xi32>
    %swap3A_85 = arith.constant 0 : index
    %swap3A_86 = tpu.vector_load %arg9[%swap3A_85] {strides = array<i32>} : memref<128xi32, #tpu.memory_space<vmem>>, vector<16xi32>,
    %swap3A_87 = vector.shape_cast %swap3A_86 : vector<16xi32> to vector<16xi32>
    %swap3A_88 = vector.shape_cast %add3A_84 : vector<16xi32> to vector<16xi32>
    tpu.vector_store %arg9[%swap3A_85], %swap3A_88 {strides = array<i32>} : memref<128xi32, #tpu.memory_space<vmem>>, vector<16xi32>,
    %iota3A_89 = tpu.iota {dimensions = array<i32: 0>} : vector<16xi32>
    %add3A_90 = arith.constant 16 : i32
    %add3A_91 = vector.broadcast %add3A_90 : i32 to vector<16xi32>
    %add3A_92 = arith.addi %add3A_91, %iota3A_89 : vector<16xi32>
    %get3A_93 = arith.constant 16 : index
    %get3A_94 = tpu.vector_load %arg6[%get3A_93] {strides = array<i32>} : memref<128xi32, #tpu.memory_space<vmem>>, vector<16xi32>,
    %get3A_95 = vector.shape_cast %get3A_94 : vector<16xi32> to vector<16xi32>
    %add3A_96 = arith.constant 32000 : i32
    %add3A_97 = vector.broadcast %add3A_96 : i32 to vector<16xi32>
    %add3A_98 = arith.addi %get3A_95, %add3A_97 : vector<16xi32>
    %get3A_99 = arith.constant 16 : index
    %get3A_100 = tpu.vector_load %arg7[%get3A_99] {strides = array<i32>} : memref<128xi32, #tpu.memory_space<vmem>>, vector<16xi32>,
    %get3A_101 = vector.shape_cast %get3A_100 : vector<16xi32> to vector<16xi32>
    %shift_right_arithmetic3A_102 = arith.constant 3 : i32
    %shift_right_arithmetic3A_103 = vector.broadcast %shift_right_arithmetic3A_102 : i32 to vector<16xi32>
    %shift_right_arithmetic3A_104 = arith.shrsi %add3A_98, %shift_right_arithmetic3A_103 : vector<16xi32>
    %mul3A_105 = arith.constant 16384 : i32
    %mul3A_106 = vector.broadcast %mul3A_105 : i32 to vector<16xi32>
    %mul3A_107 = arith.muli %shift_right_arithmetic3A_104, %mul3A_106 : vector<16xi32>
    %add3A_108 = vector.broadcast %mul3A_39 : i32 to vector<16xi32>
    %add3A_109 = arith.addi %add3A_108, %mul3A_107 : vector<16xi32>
    %and3A_110 = arith.constant 7 : i32
    %and3A_111 = vector.broadcast %and3A_110 : i32 to vector<16xi32>
    %and3A_112 = arith.andi %add3A_98, %and3A_111 : vector<16xi32>
    %mul3A_113 = arith.constant 128 : i32
    %mul3A_114 = vector.broadcast %mul3A_113 : i32 to vector<16xi32>
    %mul3A_115 = arith.muli %and3A_112, %mul3A_114 : vector<16xi32>
    %add3A_116 = arith.addi %add3A_109, %mul3A_115 : vector<16xi32>
    %add3A_117 = arith.addi %add3A_116, %add3A_92 : vector<16xi32>
    %swap3A_118 = arith.constant 16 : index
    %swap3A_119 = tpu.vector_load %arg8[%swap3A_118] {strides = array<i32>} : memref<128xi32, #tpu.memory_space<vmem>>, vector<16xi32>,
    %swap3A_120 = vector.shape_cast %swap3A_119 : vector<16xi32> to vector<16xi32>
    %swap3A_121 = vector.shape_cast %add3A_117 : vector<16xi32> to vector<16xi32>
    tpu.vector_store %arg8[%swap3A_118], %swap3A_121 {strides = array<i32>} : memref<128xi32, #tpu.memory_space<vmem>>, vector<16xi32>,
    %shift_right_arithmetic3A_122 = arith.constant 3 : i32
    %shift_right_arithmetic3A_123 = vector.broadcast %shift_right_arithmetic3A_122 : i32 to vector<16xi32>
    %shift_right_arithmetic3A_124 = arith.shrsi %get3A_101, %shift_right_arithmetic3A_123 : vector<16xi32>
    %mul3A_125 = arith.constant 16384 : i32
    %mul3A_126 = vector.broadcast %mul3A_125 : i32 to vector<16xi32>
    %mul3A_127 = arith.muli %shift_right_arithmetic3A_124, %mul3A_126 : vector<16xi32>
    %add3A_128 = vector.broadcast %mul3A_39 : i32 to vector<16xi32>
    %add3A_129 = arith.addi %add3A_128, %mul3A_127 : vector<16xi32>
    %and3A_130 = arith.constant 7 : i32
    %and3A_131 = vector.broadcast %and3A_130 : i32 to vector<16xi32>
    %and3A_132 = arith.andi %get3A_101, %and3A_131 : vector<16xi32>
    %mul3A_133 = arith.constant 128 : i32
    %mul3A_134 = vector.broadcast %mul3A_133 : i32 to vector<16xi32>
    %mul3A_135 = arith.muli %and3A_132, %mul3A_134 : vector<16xi32>
    %add3A_136 = arith.addi %add3A_129, %mul3A_135 : vector<16xi32>
    %add3A_137 = arith.addi %add3A_136, %add3A_92 : vector<16xi32>
    %swap3A_138 = arith.constant 16 : index
    %swap3A_139 = tpu.vector_load %arg9[%swap3A_138] {strides = array<i32>} : memref<128xi32, #tpu.memory_space<vmem>>, vector<16xi32>,
    %swap3A_140 = vector.shape_cast %swap3A_139 : vector<16xi32> to vector<16xi32>
    %swap3A_141 = vector.shape_cast %add3A_137 : vector<16xi32> to vector<16xi32>
    tpu.vector_store %arg9[%swap3A_138], %swap3A_141 {strides = array<i32>} : memref<128xi32, #tpu.memory_space<vmem>>, vector<16xi32>,
    %iota3A_142 = tpu.iota {dimensions = array<i32: 0>} : vector<16xi32>
    %add3A_143 = arith.constant 32 : i32
    %add3A_144 = vector.broadcast %add3A_143 : i32 to vector<16xi32>
    %add3A_145 = arith.addi %add3A_144, %iota3A_142 : vector<16xi32>
    %get3A_146 = arith.constant 32 : index
    %get3A_147 = tpu.vector_load %arg6[%get3A_146] {strides = array<i32>} : memref<128xi32, #tpu.memory_space<vmem>>, vector<16xi32>,
    %get3A_148 = vector.shape_cast %get3A_147 : vector<16xi32> to vector<16xi32>
    %add3A_149 = arith.constant 32000 : i32
    %add3A_150 = vector.broadcast %add3A_149 : i32 to vector<16xi32>
    %add3A_151 = arith.addi %get3A_148, %add3A_150 : vector<16xi32>
    %get3A_152 = arith.constant 32 : index
    %get3A_153 = tpu.vector_load %arg7[%get3A_152] {strides = array<i32>} : memref<128xi32, #tpu.memory_space<vmem>>, vector<16xi32>,
    %get3A_154 = vector.shape_cast %get3A_153 : vector<16xi32> to vector<16xi32>
    %shift_right_arithmetic3A_155 = arith.constant 3 : i32
    %shift_right_arithmetic3A_156 = vector.broadcast %shift_right_arithmetic3A_155 : i32 to vector<16xi32>
    %shift_right_arithmetic3A_157 = arith.shrsi %add3A_151, %shift_right_arithmetic3A_156 : vector<16xi32>
    %mul3A_158 = arith.constant 16384 : i32
    %mul3A_159 = vector.broadcast %mul3A_158 : i32 to vector<16xi32>
    %mul3A_160 = arith.muli %shift_right_arithmetic3A_157, %mul3A_159 : vector<16xi32>
    %add3A_161 = vector.broadcast %mul3A_39 : i32 to vector<16xi32>
    %add3A_162 = arith.addi %add3A_161, %mul3A_160 : vector<16xi32>
    %and3A_163 = arith.constant 7 : i32
    %and3A_164 = vector.broadcast %and3A_163 : i32 to vector<16xi32>
    %and3A_165 = arith.andi %add3A_151, %and3A_164 : vector<16xi32>
    %mul3A_166 = arith.constant 128 : i32
    %mul3A_167 = vector.broadcast %mul3A_166 : i32 to vector<16xi32>
    %mul3A_168 = arith.muli %and3A_165, %mul3A_167 : vector<16xi32>
    %add3A_169 = arith.addi %add3A_162, %mul3A_168 : vector<16xi32>
    %add3A_170 = arith.addi %add3A_169, %add3A_145 : vector<16xi32>
    %swap3A_171 = arith.constant 32 : index
    %swap3A_172 = tpu.vector_load %arg8[%swap3A_171] {strides = array<i32>} : memref<128xi32, #tpu.memory_space<vmem>>, vector<16xi32>,
    %swap3A_173 = vector.shape_cast %swap3A_172 : vector<16xi32> to vector<16xi32>
    %swap3A_174 = vector.shape_cast %add3A_170 : vector<16xi32> to vector<16xi32>
    tpu.vector_store %arg8[%swap3A_171], %swap3A_174 {strides = array<i32>} : memref<128xi32, #tpu.memory_space<vmem>>, vector<16xi32>,
    %shift_right_arithmetic3A_175 = arith.constant 3 : i32
    %shift_right_arithmetic3A_176 = vector.broadcast %shift_right_arithmetic3A_175 : i32 to vector<16xi32>
    %shift_right_arithmetic3A_177 = arith.shrsi %get3A_154, %shift_right_arithmetic3A_176 : vector<16xi32>
    %mul3A_178 = arith.constant 16384 : i32
    %mul3A_179 = vector.broadcast %mul3A_178 : i32 to vector<16xi32>
    %mul3A_180 = arith.muli %shift_right_arithmetic3A_177, %mul3A_179 : vector<16xi32>
    %add3A_181 = vector.broadcast %mul3A_39 : i32 to vector<16xi32>
    %add3A_182 = arith.addi %add3A_181, %mul3A_180 : vector<16xi32>
    %and3A_183 = arith.constant 7 : i32
    %and3A_184 = vector.broadcast %and3A_183 : i32 to vector<16xi32>
    %and3A_185 = arith.andi %get3A_154, %and3A_184 : vector<16xi32>
    %mul3A_186 = arith.constant 128 : i32
    %mul3A_187 = vector.broadcast %mul3A_186 : i32 to vector<16xi32>
    %mul3A_188 = arith.muli %and3A_185, %mul3A_187 : vector<16xi32>
    %add3A_189 = arith.addi %add3A_182, %mul3A_188 : vector<16xi32>
    %add3A_190 = arith.addi %add3A_189, %add3A_145 : vector<16xi32>
    %swap3A_191 = arith.constant 32 : index
    %swap3A_192 = tpu.vector_load %arg9[%swap3A_191] {strides = array<i32>} : memref<128xi32, #tpu.memory_space<vmem>>, vector<16xi32>,
    %swap3A_193 = vector.shape_cast %swap3A_192 : vector<16xi32> to vector<16xi32>
    %swap3A_194 = vector.shape_cast %add3A_190 : vector<16xi32> to vector<16xi32>
    tpu.vector_store %arg9[%swap3A_191], %swap3A_194 {strides = array<i32>} : memref<128xi32, #tpu.memory_space<vmem>>, vector<16xi32>,
    %iota3A_195 = tpu.iota {dimensions = array<i32: 0>} : vector<16xi32>
    %add3A_196 = arith.constant 48 : i32
    %add3A_197 = vector.broadcast %add3A_196 : i32 to vector<16xi32>
    %add3A_198 = arith.addi %add3A_197, %iota3A_195 : vector<16xi32>
    %get3A_199 = arith.constant 48 : index
    %get3A_200 = tpu.vector_load %arg6[%get3A_199] {strides = array<i32>} : memref<128xi32, #tpu.memory_space<vmem>>, vector<16xi32>,
    %get3A_201 = vector.shape_cast %get3A_200 : vector<16xi32> to vector<16xi32>
    %add3A_202 = arith.constant 32000 : i32
    %add3A_203 = vector.broadcast %add3A_202 : i32 to vector<16xi32>
    %add3A_204 = arith.addi %get3A_201, %add3A_203 : vector<16xi32>
    %get3A_205 = arith.constant 48 : index
    %get3A_206 = tpu.vector_load %arg7[%get3A_205] {strides = array<i32>} : memref<128xi32, #tpu.memory_space<vmem>>, vector<16xi32>,
    %get3A_207 = vector.shape_cast %get3A_206 : vector<16xi32> to vector<16xi32>
    %shift_right_arithmetic3A_208 = arith.constant 3 : i32
    %shift_right_arithmetic3A_209 = vector.broadcast %shift_right_arithmetic3A_208 : i32 to vector<16xi32>
    %shift_right_arithmetic3A_210 = arith.shrsi %add3A_204, %shift_right_arithmetic3A_209 : vector<16xi32>
    %mul3A_211 = arith.constant 16384 : i32
    %mul3A_212 = vector.broadcast %mul3A_211 : i32 to vector<16xi32>
    %mul3A_213 = arith.muli %shift_right_arithmetic3A_210, %mul3A_212 : vector<16xi32>
    %add3A_214 = vector.broadcast %mul3A_39 : i32 to vector<16xi32>
    %add3A_215 = arith.addi %add3A_214, %mul3A_213 : vector<16xi32>
    %and3A_216 = arith.constant 7 : i32
    %and3A_217 = vector.broadcast %and3A_216 : i32 to vector<16xi32>
    %and3A_218 = arith.andi %add3A_204, %and3A_217 : vector<16xi32>
    %mul3A_219 = arith.constant 128 : i32
    %mul3A_220 = vector.broadcast %mul3A_219 : i32 to vector<16xi32>
    %mul3A_221 = arith.muli %and3A_218, %mul3A_220 : vector<16xi32>
    %add3A_222 = arith.addi %add3A_215, %mul3A_221 : vector<16xi32>
    %add3A_223 = arith.addi %add3A_222, %add3A_198 : vector<16xi32>
    %swap3A_224 = arith.constant 48 : index
    %swap3A_225 = tpu.vector_load %arg8[%swap3A_224] {strides = array<i32>} : memref<128xi32, #tpu.memory_space<vmem>>, vector<16xi32>,
    %swap3A_226 = vector.shape_cast %swap3A_225 : vector<16xi32> to vector<16xi32>
    %swap3A_227 = vector.shape_cast %add3A_223 : vector<16xi32> to vector<16xi32>
    tpu.vector_store %arg8[%swap3A_224], %swap3A_227 {strides = array<i32>} : memref<128xi32, #tpu.memory_space<vmem>>, vector<16xi32>,
    %shift_right_arithmetic3A_228 = arith.constant 3 : i32
    %shift_right_arithmetic3A_229 = vector.broadcast %shift_right_arithmetic3A_228 : i32 to vector<16xi32>
    %shift_right_arithmetic3A_230 = arith.shrsi %get3A_207, %shift_right_arithmetic3A_229 : vector<16xi32>
    %mul3A_231 = arith.constant 16384 : i32
    %mul3A_232 = vector.broadcast %mul3A_231 : i32 to vector<16xi32>
    %mul3A_233 = arith.muli %shift_right_arithmetic3A_230, %mul3A_232 : vector<16xi32>
    %add3A_234 = vector.broadcast %mul3A_39 : i32 to vector<16xi32>
    %add3A_235 = arith.addi %add3A_234, %mul3A_233 : vector<16xi32>
    %and3A_236 = arith.constant 7 : i32
    %and3A_237 = vector.broadcast %and3A_236 : i32 to vector<16xi32>
    %and3A_238 = arith.andi %get3A_207, %and3A_237 : vector<16xi32>
    %mul3A_239 = arith.constant 128 : i32
    %mul3A_240 = vector.broadcast %mul3A_239 : i32 to vector<16xi32>
    %mul3A_241 = arith.muli %and3A_238, %mul3A_240 : vector<16xi32>
    %add3A_242 = arith.addi %add3A_235, %mul3A_241 : vector<16xi32>
    %add3A_243 = arith.addi %add3A_242, %add3A_198 : vector<16xi32>
    %swap3A_244 = arith.constant 48 : index
    %swap3A_245 = tpu.vector_load %arg9[%swap3A_244] {strides = array<i32>} : memref<128xi32, #tpu.memory_space<vmem>>, vector<16xi32>,
    %swap3A_246 = vector.shape_cast %swap3A_245 : vector<16xi32> to vector<16xi32>
    %swap3A_247 = vector.shape_cast %add3A_243 : vector<16xi32> to vector<16xi32>
    tpu.vector_store %arg9[%swap3A_244], %swap3A_247 {strides = array<i32>} : memref<128xi32, #tpu.memory_space<vmem>>, vector<16xi32>,
    %iota3A_248 = tpu.iota {dimensions = array<i32: 0>} : vector<16xi32>
    %add3A_249 = arith.constant 64 : i32
    %add3A_250 = vector.broadcast %add3A_249 : i32 to vector<16xi32>
    %add3A_251 = arith.addi %add3A_250, %iota3A_248 : vector<16xi32>
    %get3A_252 = arith.constant 64 : index
    %get3A_253 = tpu.vector_load %arg6[%get3A_252] {strides = array<i32>} : memref<128xi32, #tpu.memory_space<vmem>>, vector<16xi32>,
    %get3A_254 = vector.shape_cast %get3A_253 : vector<16xi32> to vector<16xi32>
    %add3A_255 = arith.constant 32000 : i32
    %add3A_256 = vector.broadcast %add3A_255 : i32 to vector<16xi32>
    %add3A_257 = arith.addi %get3A_254, %add3A_256 : vector<16xi32>
    %get3A_258 = arith.constant 64 : index
    %get3A_259 = tpu.vector_load %arg7[%get3A_258] {strides = array<i32>} : memref<128xi32, #tpu.memory_space<vmem>>, vector<16xi32>,
    %get3A_260 = vector.shape_cast %get3A_259 : vector<16xi32> to vector<16xi32>
    %shift_right_arithmetic3A_261 = arith.constant 3 : i32
    %shift_right_arithmetic3A_262 = vector.broadcast %shift_right_arithmetic3A_261 : i32 to vector<16xi32>
    %shift_right_arithmetic3A_263 = arith.shrsi %add3A_257, %shift_right_arithmetic3A_262 : vector<16xi32>
    %mul3A_264 = arith.constant 16384 : i32
    %mul3A_265 = vector.broadcast %mul3A_264 : i32 to vector<16xi32>
    %mul3A_266 = arith.muli %shift_right_arithmetic3A_263, %mul3A_265 : vector<16xi32>
    %add3A_267 = vector.broadcast %mul3A_39 : i32 to vector<16xi32>
    %add3A_268 = arith.addi %add3A_267, %mul3A_266 : vector<16xi32>
    %and3A_269 = arith.constant 7 : i32
    %and3A_270 = vector.broadcast %and3A_269 : i32 to vector<16xi32>
    %and3A_271 = arith.andi %add3A_257, %and3A_270 : vector<16xi32>
    %mul3A_272 = arith.constant 128 : i32
    %mul3A_273 = vector.broadcast %mul3A_272 : i32 to vector<16xi32>
    %mul3A_274 = arith.muli %and3A_271, %mul3A_273 : vector<16xi32>
    %add3A_275 = arith.addi %add3A_268, %mul3A_274 : vector<16xi32>
    %add3A_276 = arith.addi %add3A_275, %add3A_251 : vector<16xi32>
    %swap3A_277 = arith.constant 64 : index
    %swap3A_278 = tpu.vector_load %arg8[%swap3A_277] {strides = array<i32>} : memref<128xi32, #tpu.memory_space<vmem>>, vector<16xi32>,
    %swap3A_279 = vector.shape_cast %swap3A_278 : vector<16xi32> to vector<16xi32>
    %swap3A_280 = vector.shape_cast %add3A_276 : vector<16xi32> to vector<16xi32>
    tpu.vector_store %arg8[%swap3A_277], %swap3A_280 {strides = array<i32>} : memref<128xi32, #tpu.memory_space<vmem>>, vector<16xi32>,
    %shift_right_arithmetic3A_281 = arith.constant 3 : i32
    %shift_right_arithmetic3A_282 = vector.broadcast %shift_right_arithmetic3A_281 : i32 to vector<16xi32>
    %shift_right_arithmetic3A_283 = arith.shrsi %get3A_260, %shift_right_arithmetic3A_282 : vector<16xi32>
    %mul3A_284 = arith.constant 16384 : i32
    %mul3A_285 = vector.broadcast %mul3A_284 : i32 to vector<16xi32>
    %mul3A_286 = arith.muli %shift_right_arithmetic3A_283, %mul3A_285 : vector<16xi32>
    %add3A_287 = vector.broadcast %mul3A_39 : i32 to vector<16xi32>
    %add3A_288 = arith.addi %add3A_287, %mul3A_286 : vector<16xi32>
    %and3A_289 = arith.constant 7 : i32
    %and3A_290 = vector.broadcast %and3A_289 : i32 to vector<16xi32>
    %and3A_291 = arith.andi %get3A_260, %and3A_290 : vector<16xi32>
    %mul3A_292 = arith.constant 128 : i32
    %mul3A_293 = vector.broadcast %mul3A_292 : i32 to vector<16xi32>
    %mul3A_294 = arith.muli %and3A_291, %mul3A_293 : vector<16xi32>
    %add3A_295 = arith.addi %add3A_288, %mul3A_294 : vector<16xi32>
    %add3A_296 = arith.addi %add3A_295, %add3A_251 : vector<16xi32>
    %swap3A_297 = arith.constant 64 : index
    %swap3A_298 = tpu.vector_load %arg9[%swap3A_297] {strides = array<i32>} : memref<128xi32, #tpu.memory_space<vmem>>, vector<16xi32>,
    %swap3A_299 = vector.shape_cast %swap3A_298 : vector<16xi32> to vector<16xi32>
    %swap3A_300 = vector.shape_cast %add3A_296 : vector<16xi32> to vector<16xi32>
    tpu.vector_store %arg9[%swap3A_297], %swap3A_300 {strides = array<i32>} : memref<128xi32, #tpu.memory_space<vmem>>, vector<16xi32>,
    %iota3A_301 = tpu.iota {dimensions = array<i32: 0>} : vector<16xi32>
    %add3A_302 = arith.constant 80 : i32
    %add3A_303 = vector.broadcast %add3A_302 : i32 to vector<16xi32>
    %add3A_304 = arith.addi %add3A_303, %iota3A_301 : vector<16xi32>
    %get3A_305 = arith.constant 80 : index
    %get3A_306 = tpu.vector_load %arg6[%get3A_305] {strides = array<i32>} : memref<128xi32, #tpu.memory_space<vmem>>, vector<16xi32>,
    %get3A_307 = vector.shape_cast %get3A_306 : vector<16xi32> to vector<16xi32>
    %add3A_308 = arith.constant 32000 : i32
    %add3A_309 = vector.broadcast %add3A_308 : i32 to vector<16xi32>
    %add3A_310 = arith.addi %get3A_307, %add3A_309 : vector<16xi32>
    %get3A_311 = arith.constant 80 : index
    %get3A_312 = tpu.vector_load %arg7[%get3A_311] {strides = array<i32>} : memref<128xi32, #tpu.memory_space<vmem>>, vector<16xi32>,
    %get3A_313 = vector.shape_cast %get3A_312 : vector<16xi32> to vector<16xi32>
    %shift_right_arithmetic3A_314 = arith.constant 3 : i32
    %shift_right_arithmetic3A_315 = vector.broadcast %shift_right_arithmetic3A_314 : i32 to vector<16xi32>
    %shift_right_arithmetic3A_316 = arith.shrsi %add3A_310, %shift_right_arithmetic3A_315 : vector<16xi32>
    %mul3A_317 = arith.constant 16384 : i32
    %mul3A_318 = vector.broadcast %mul3A_317 : i32 to vector<16xi32>
    %mul3A_319 = arith.muli %shift_right_arithmetic3A_316, %mul3A_318 : vector<16xi32>
    %add3A_320 = vector.broadcast %mul3A_39 : i32 to vector<16xi32>
    %add3A_321 = arith.addi %add3A_320, %mul3A_319 : vector<16xi32>
    %and3A_322 = arith.constant 7 : i32
    %and3A_323 = vector.broadcast %and3A_322 : i32 to vector<16xi32>
    %and3A_324 = arith.andi %add3A_310, %and3A_323 : vector<16xi32>
    %mul3A_325 = arith.constant 128 : i32
    %mul3A_326 = vector.broadcast %mul3A_325 : i32 to vector<16xi32>
    %mul3A_327 = arith.muli %and3A_324, %mul3A_326 : vector<16xi32>
    %add3A_328 = arith.addi %add3A_321, %mul3A_327 : vector<16xi32>
    %add3A_329 = arith.addi %add3A_328, %add3A_304 : vector<16xi32>
    %swap3A_330 = arith.constant 80 : index
    %swap3A_331 = tpu.vector_load %arg8[%swap3A_330] {strides = array<i32>} : memref<128xi32, #tpu.memory_space<vmem>>, vector<16xi32>,
    %swap3A_332 = vector.shape_cast %swap3A_331 : vector<16xi32> to vector<16xi32>
    %swap3A_333 = vector.shape_cast %add3A_329 : vector<16xi32> to vector<16xi32>
    tpu.vector_store %arg8[%swap3A_330], %swap3A_333 {strides = array<i32>} : memref<128xi32, #tpu.memory_space<vmem>>, vector<16xi32>,
    %shift_right_arithmetic3A_334 = arith.constant 3 : i32
    %shift_right_arithmetic3A_335 = vector.broadcast %shift_right_arithmetic3A_334 : i32 to vector<16xi32>
    %shift_right_arithmetic3A_336 = arith.shrsi %get3A_313, %shift_right_arithmetic3A_335 : vector<16xi32>
    %mul3A_337 = arith.constant 16384 : i32
    %mul3A_338 = vector.broadcast %mul3A_337 : i32 to vector<16xi32>
    %mul3A_339 = arith.muli %shift_right_arithmetic3A_336, %mul3A_338 : vector<16xi32>
    %add3A_340 = vector.broadcast %mul3A_39 : i32 to vector<16xi32>
    %add3A_341 = arith.addi %add3A_340, %mul3A_339 : vector<16xi32>
    %and3A_342 = arith.constant 7 : i32
    %and3A_343 = vector.broadcast %and3A_342 : i32 to vector<16xi32>
    %and3A_344 = arith.andi %get3A_313, %and3A_343 : vector<16xi32>
    %mul3A_345 = arith.constant 128 : i32
    %mul3A_346 = vector.broadcast %mul3A_345 : i32 to vector<16xi32>
    %mul3A_347 = arith.muli %and3A_344, %mul3A_346 : vector<16xi32>
    %add3A_348 = arith.addi %add3A_341, %mul3A_347 : vector<16xi32>
    %add3A_349 = arith.addi %add3A_348, %add3A_304 : vector<16xi32>
    %swap3A_350 = arith.constant 80 : index
    %swap3A_351 = tpu.vector_load %arg9[%swap3A_350] {strides = array<i32>} : memref<128xi32, #tpu.memory_space<vmem>>, vector<16xi32>,
    %swap3A_352 = vector.shape_cast %swap3A_351 : vector<16xi32> to vector<16xi32>
    %swap3A_353 = vector.shape_cast %add3A_349 : vector<16xi32> to vector<16xi32>
    tpu.vector_store %arg9[%swap3A_350], %swap3A_353 {strides = array<i32>} : memref<128xi32, #tpu.memory_space<vmem>>, vector<16xi32>,
    %iota3A_354 = tpu.iota {dimensions = array<i32: 0>} : vector<16xi32>
    %add3A_355 = arith.constant 96 : i32
    %add3A_356 = vector.broadcast %add3A_355 : i32 to vector<16xi32>
    %add3A_357 = arith.addi %add3A_356, %iota3A_354 : vector<16xi32>
    %get3A_358 = arith.constant 96 : index
    %get3A_359 = tpu.vector_load %arg6[%get3A_358] {strides = array<i32>} : memref<128xi32, #tpu.memory_space<vmem>>, vector<16xi32>,
    %get3A_360 = vector.shape_cast %get3A_359 : vector<16xi32> to vector<16xi32>
    %add3A_361 = arith.constant 32000 : i32
    %add3A_362 = vector.broadcast %add3A_361 : i32 to vector<16xi32>
    %add3A_363 = arith.addi %get3A_360, %add3A_362 : vector<16xi32>
    %get3A_364 = arith.constant 96 : index
    %get3A_365 = tpu.vector_load %arg7[%get3A_364] {strides = array<i32>} : memref<128xi32, #tpu.memory_space<vmem>>, vector<16xi32>,
    %get3A_366 = vector.shape_cast %get3A_365 : vector<16xi32> to vector<16xi32>
    %shift_right_arithmetic3A_367 = arith.constant 3 : i32
    %shift_right_arithmetic3A_368 = vector.broadcast %shift_right_arithmetic3A_367 : i32 to vector<16xi32>
    %shift_right_arithmetic3A_369 = arith.shrsi %add3A_363, %shift_right_arithmetic3A_368 : vector<16xi32>
    %mul3A_370 = arith.constant 16384 : i32
    %mul3A_371 = vector.broadcast %mul3A_370 : i32 to vector<16xi32>
    %mul3A_372 = arith.muli %shift_right_arithmetic3A_369, %mul3A_371 : vector<16xi32>
    %add3A_373 = vector.broadcast %mul3A_39 : i32 to vector<16xi32>
    %add3A_374 = arith.addi %add3A_373, %mul3A_372 : vector<16xi32>
    %and3A_375 = arith.constant 7 : i32
    %and3A_376 = vector.broadcast %and3A_375 : i32 to vector<16xi32>
    %and3A_377 = arith.andi %add3A_363, %and3A_376 : vector<16xi32>
    %mul3A_378 = arith.constant 128 : i32
    %mul3A_379 = vector.broadcast %mul3A_378 : i32 to vector<16xi32>
    %mul3A_380 = arith.muli %and3A_377, %mul3A_379 : vector<16xi32>
    %add3A_381 = arith.addi %add3A_374, %mul3A_380 : vector<16xi32>
    %add3A_382 = arith.addi %add3A_381, %add3A_357 : vector<16xi32>
    %swap3A_383 = arith.constant 96 : index
    %swap3A_384 = tpu.vector_load %arg8[%swap3A_383] {strides = array<i32>} : memref<128xi32, #tpu.memory_space<vmem>>, vector<16xi32>,
    %swap3A_385 = vector.shape_cast %swap3A_384 : vector<16xi32> to vector<16xi32>
    %swap3A_386 = vector.shape_cast %add3A_382 : vector<16xi32> to vector<16xi32>
    tpu.vector_store %arg8[%swap3A_383], %swap3A_386 {strides = array<i32>} : memref<128xi32, #tpu.memory_space<vmem>>, vector<16xi32>,
    %shift_right_arithmetic3A_387 = arith.constant 3 : i32
    %shift_right_arithmetic3A_388 = vector.broadcast %shift_right_arithmetic3A_387 : i32 to vector<16xi32>
    %shift_right_arithmetic3A_389 = arith.shrsi %get3A_366, %shift_right_arithmetic3A_388 : vector<16xi32>
    %mul3A_390 = arith.constant 16384 : i32
    %mul3A_391 = vector.broadcast %mul3A_390 : i32 to vector<16xi32>
    %mul3A_392 = arith.muli %shift_right_arithmetic3A_389, %mul3A_391 : vector<16xi32>
    %add3A_393 = vector.broadcast %mul3A_39 : i32 to vector<16xi32>
    %add3A_394 = arith.addi %add3A_393, %mul3A_392 : vector<16xi32>
    %and3A_395 = arith.constant 7 : i32
    %and3A_396 = vector.broadcast %and3A_395 : i32 to vector<16xi32>
    %and3A_397 = arith.andi %get3A_366, %and3A_396 : vector<16xi32>
    %mul3A_398 = arith.constant 128 : i32
    %mul3A_399 = vector.broadcast %mul3A_398 : i32 to vector<16xi32>
    %mul3A_400 = arith.muli %and3A_397, %mul3A_399 : vector<16xi32>
    %add3A_401 = arith.addi %add3A_394, %mul3A_400 : vector<16xi32>
    %add3A_402 = arith.addi %add3A_401, %add3A_357 : vector<16xi32>
    %swap3A_403 = arith.constant 96 : index
    %swap3A_404 = tpu.vector_load %arg9[%swap3A_403] {strides = array<i32>} : memref<128xi32, #tpu.memory_space<vmem>>, vector<16xi32>,
    %swap3A_405 = vector.shape_cast %swap3A_404 : vector<16xi32> to vector<16xi32>
    %swap3A_406 = vector.shape_cast %add3A_402 : vector<16xi32> to vector<16xi32>
    tpu.vector_store %arg9[%swap3A_403], %swap3A_406 {strides = array<i32>} : memref<128xi32, #tpu.memory_space<vmem>>, vector<16xi32>,
    %iota3A_407 = tpu.iota {dimensions = array<i32: 0>} : vector<16xi32>
    %add3A_408 = arith.constant 112 : i32
    %add3A_409 = vector.broadcast %add3A_408 : i32 to vector<16xi32>
    %add3A_410 = arith.addi %add3A_409, %iota3A_407 : vector<16xi32>
    %get3A_411 = arith.constant 112 : index
    %get3A_412 = tpu.vector_load %arg6[%get3A_411] {strides = array<i32>} : memref<128xi32, #tpu.memory_space<vmem>>, vector<16xi32>,
    %get3A_413 = vector.shape_cast %get3A_412 : vector<16xi32> to vector<16xi32>
    %add3A_414 = arith.constant 32000 : i32
    %add3A_415 = vector.broadcast %add3A_414 : i32 to vector<16xi32>
    %add3A_416 = arith.addi %get3A_413, %add3A_415 : vector<16xi32>
    %get3A_417 = arith.constant 112 : index
    %get3A_418 = tpu.vector_load %arg7[%get3A_417] {strides = array<i32>} : memref<128xi32, #tpu.memory_space<vmem>>, vector<16xi32>,
    %get3A_419 = vector.shape_cast %get3A_418 : vector<16xi32> to vector<16xi32>
    %shift_right_arithmetic3A_420 = arith.constant 3 : i32
    %shift_right_arithmetic3A_421 = vector.broadcast %shift_right_arithmetic3A_420 : i32 to vector<16xi32>
    %shift_right_arithmetic3A_422 = arith.shrsi %add3A_416, %shift_right_arithmetic3A_421 : vector<16xi32>
    %mul3A_423 = arith.constant 16384 : i32
    %mul3A_424 = vector.broadcast %mul3A_423 : i32 to vector<16xi32>
    %mul3A_425 = arith.muli %shift_right_arithmetic3A_422, %mul3A_424 : vector<16xi32>
    %add3A_426 = vector.broadcast %mul3A_39 : i32 to vector<16xi32>
    %add3A_427 = arith.addi %add3A_426, %mul3A_425 : vector<16xi32>
    %and3A_428 = arith.constant 7 : i32
    %and3A_429 = vector.broadcast %and3A_428 : i32 to vector<16xi32>
    %and3A_430 = arith.andi %add3A_416, %and3A_429 : vector<16xi32>
    %mul3A_431 = arith.constant 128 : i32
    %mul3A_432 = vector.broadcast %mul3A_431 : i32 to vector<16xi32>
    %mul3A_433 = arith.muli %and3A_430, %mul3A_432 : vector<16xi32>
    %add3A_434 = arith.addi %add3A_427, %mul3A_433 : vector<16xi32>
    %add3A_435 = arith.addi %add3A_434, %add3A_410 : vector<16xi32>
    %swap3A_436 = arith.constant 112 : index
    %swap3A_437 = tpu.vector_load %arg8[%swap3A_436] {strides = array<i32>} : memref<128xi32, #tpu.memory_space<vmem>>, vector<16xi32>,
    %swap3A_438 = vector.shape_cast %swap3A_437 : vector<16xi32> to vector<16xi32>
    %swap3A_439 = vector.shape_cast %add3A_435 : vector<16xi32> to vector<16xi32>
    tpu.vector_store %arg8[%swap3A_436], %swap3A_439 {strides = array<i32>} : memref<128xi32, #tpu.memory_space<vmem>>, vector<16xi32>,
    %shift_right_arithmetic3A_440 = arith.constant 3 : i32
    %shift_right_arithmetic3A_441 = vector.broadcast %shift_right_arithmetic3A_440 : i32 to vector<16xi32>
    %shift_right_arithmetic3A_442 = arith.shrsi %get3A_419, %shift_right_arithmetic3A_441 : vector<16xi32>
    %mul3A_443 = arith.constant 16384 : i32
    %mul3A_444 = vector.broadcast %mul3A_443 : i32 to vector<16xi32>
    %mul3A_445 = arith.muli %shift_right_arithmetic3A_442, %mul3A_444 : vector<16xi32>
    %add3A_446 = vector.broadcast %mul3A_39 : i32 to vector<16xi32>
    %add3A_447 = arith.addi %add3A_446, %mul3A_445 : vector<16xi32>
    %and3A_448 = arith.constant 7 : i32
    %and3A_449 = vector.broadcast %and3A_448 : i32 to vector<16xi32>
    %and3A_450 = arith.andi %get3A_419, %and3A_449 : vector<16xi32>
    %mul3A_451 = arith.constant 128 : i32
    %mul3A_452 = vector.broadcast %mul3A_451 : i32 to vector<16xi32>
    %mul3A_453 = arith.muli %and3A_450, %mul3A_452 : vector<16xi32>
    %add3A_454 = arith.addi %add3A_447, %mul3A_453 : vector<16xi32>
    %add3A_455 = arith.addi %add3A_454, %add3A_410 : vector<16xi32>
    %swap3A_456 = arith.constant 112 : index
    %swap3A_457 = tpu.vector_load %arg9[%swap3A_456] {strides = array<i32>} : memref<128xi32, #tpu.memory_space<vmem>>, vector<16xi32>,
    %swap3A_458 = vector.shape_cast %swap3A_457 : vector<16xi32> to vector<16xi32>
    %swap3A_459 = vector.shape_cast %add3A_455 : vector<16xi32> to vector<16xi32>
    tpu.vector_store %arg9[%swap3A_456], %swap3A_459 {strides = array<i32>} : memref<128xi32, #tpu.memory_space<vmem>>, vector<16xi32>,
    %dma_start3A = arith.constant 0 : i32
    %dma_start3A_460 = tpu.memref_slice %arg2[%dma_start3A] : memref<131497984xf32, #tpu.memory_space<hbm>> -> memref<131497984xf32, #tpu.memory_space<hbm>>
    tpu.enqueue_indirect_dma source(%dma_start3A_460 : memref<131497984xf32, #tpu.memory_space<hbm>>) target(%arg10 : memref<128xf32, #tpu.memory_space<vmem>>) offsets(%arg8 : memref<128xi32, #tpu.memory_space<vmem>>) semaphore(%arg13 : memref<!tpu.dma_semaphore, #tpu.memory_space<semaphore_mem>>)
    %dma_start3A_461 = arith.constant 0 : i32
    %dma_start3A_462 = tpu.memref_slice %arg2[%dma_start3A_461] : memref<131497984xf32, #tpu.memory_space<hbm>> -> memref<131497984xf32, #tpu.memory_space<hbm>>
    tpu.enqueue_indirect_dma source(%dma_start3A_462 : memref<131497984xf32, #tpu.memory_space<hbm>>) target(%arg11 : memref<128xf32, #tpu.memory_space<vmem>>) offsets(%arg9 : memref<128xi32, #tpu.memory_space<vmem>>) semaphore(%arg13 : memref<!tpu.dma_semaphore, #tpu.memory_space<semaphore_mem>>)
    %dma_wait3A = arith.constant 0 : i32
    %dma_wait3A_463 = tpu.memref_slice %arg2[%dma_wait3A] : memref<131497984xf32, #tpu.memory_space<hbm>> -> memref<131497984xf32, #tpu.memory_space<hbm>>
    tpu.wait_indirect_dma semaphore(%arg13 : memref<!tpu.dma_semaphore, #tpu.memory_space<semaphore_mem>>) src(%dma_wait3A_463 : memref<131497984xf32, #tpu.memory_space<hbm>>) dst(%arg10 : memref<128xf32, #tpu.memory_space<vmem>>)
    %dma_wait3A_464 = arith.constant 0 : i32
    %dma_wait3A_465 = tpu.memref_slice %arg2[%dma_wait3A_464] : memref<131497984xf32, #tpu.memory_space<hbm>> -> memref<131497984xf32, #tpu.memory_space<hbm>>
    tpu.wait_indirect_dma semaphore(%arg13 : memref<!tpu.dma_semaphore, #tpu.memory_space<semaphore_mem>>) src(%dma_wait3A_465 : memref<131497984xf32, #tpu.memory_space<hbm>>) dst(%arg11 : memref<128xf32, #tpu.memory_space<vmem>>)
    %get3A_466 = arith.constant 0 : index
    %get3A_467 = tpu.vector_load %arg6[%get3A_466] {strides = array<i32>} : memref<128xi32, #tpu.memory_space<vmem>>, vector<16xi32>,
    %get3A_468 = vector.shape_cast %get3A_467 : vector<16xi32> to vector<16xi32>
    %get3A_469 = arith.constant 0 : index
    %get3A_470 = tpu.vector_load %arg7[%get3A_469] {strides = array<i32>} : memref<128xi32, #tpu.memory_space<vmem>>, vector<16xi32>,
    %get3A_471 = vector.shape_cast %get3A_470 : vector<16xi32> to vector<16xi32>
    %get3A_472 = arith.constant 0 : index
    %get3A_473 = tpu.vector_load %arg10[%get3A_472] {strides = array<i32>} : memref<128xf32, #tpu.memory_space<vmem>>, vector<16xf32>,
    %get3A_474 = vector.shape_cast %get3A_473 : vector<16xf32> to vector<16xf32>
    %get3A_475 = arith.constant 0 : index
    %get3A_476 = tpu.vector_load %arg11[%get3A_475] {strides = array<i32>} : memref<128xf32, #tpu.memory_space<vmem>>, vector<16xf32>,
    %get3A_477 = vector.shape_cast %get3A_476 : vector<16xf32> to vector<16xf32>
    %eq3A_478 = arith.constant 1 : i32
    %eq3A_479 = vector.broadcast %eq3A_478 : i32 to vector<16xi32>
    %eq3A_480 = arith.cmpi eq, %get3A_468, %eq3A_479 : vector<16xi32>
    %eq3A_481 = arith.constant 1 : i32
    %eq3A_482 = vector.broadcast %eq3A_481 : i32 to vector<16xi32>
    %eq3A_483 = arith.cmpi eq, %get3A_471, %eq3A_482 : vector<16xi32>
    %jit3A_484 = arith.constant 0.000000e+00 : f32
    %broadcast_in_dim3A = vector.broadcast %jit3A_484 : f32 to vector<16xf32>
    %select_n3A_485 = arith.select %eq3A_480, %broadcast_in_dim3A, %get3A_474 : vector<16xi1>, vector<16xf32>
    %add3A_486 = arith.constant 9.99999968E-21 : f32
    %add3A_487 = vector.broadcast %add3A_486 : f32 to vector<16xf32>
    %add3A_488 = arith.addf %select_n3A_485, %add3A_487 : vector<16xf32>
    %jit3A_489 = arith.constant 0.000000e+00 : f32
    %broadcast_in_dim3A_490 = vector.broadcast %jit3A_489 : f32 to vector<16xf32>
    %select_n3A_491 = arith.select %eq3A_483, %broadcast_in_dim3A_490, %get3A_477 : vector<16xi1>, vector<16xf32>
    %add3A_492 = arith.addf %add3A_488, %select_n3A_491 : vector<16xf32>
    %and3A_493 = arith.andi %eq3A_480, %eq3A_483 : vector<16xi1>
    %jit3A_494 = arith.constant 0.000000e+00 : f32
    %broadcast_in_dim3A_495 = vector.broadcast %jit3A_494 : f32 to vector<16xf32>
    %select_n3A_496 = arith.select %and3A_493, %get3A_477, %broadcast_in_dim3A_495 : vector<16xi1>, vector<16xf32>
    %add3A_497 = arith.addf %add3A_492, %select_n3A_496 : vector<16xf32>
    %eq3A_498 = arith.constant 0 : i32
    %eq3A_499 = vector.broadcast %eq3A_498 : i32 to vector<16xi32>
    %eq3A_500 = arith.cmpi eq, %get3A_471, %eq3A_499 : vector<16xi32>
    %jit3A_501 = arith.constant 1.000000e+00 : f32
    %broadcast_in_dim3A_502 = vector.broadcast %jit3A_501 : f32 to vector<16xf32>
    %select_n3A_503 = arith.select %eq3A_500, %broadcast_in_dim3A_502, %add3A_497 : vector<16xi1>, vector<16xf32>
    %swap3A_504 = arith.constant 0 : index
    %swap3A_505 = tpu.vector_load %arg12[%swap3A_504] {strides = array<i32>} : memref<128xf32, #tpu.memory_space<vmem>>, vector<16xf32>,
    %swap3A_506 = vector.shape_cast %swap3A_505 : vector<16xf32> to vector<16xf32>
    %swap3A_507 = vector.shape_cast %select_n3A_503 : vector<16xf32> to vector<16xf32>
    tpu.vector_store %arg12[%swap3A_504], %swap3A_507 {strides = array<i32>} : memref<128xf32, #tpu.memory_space<vmem>>, vector<16xf32>,
    %get3A_508 = arith.constant 16 : index
    %get3A_509 = tpu.vector_load %arg6[%get3A_508] {strides = array<i32>} : memref<128xi32, #tpu.memory_space<vmem>>, vector<16xi32>,
    %get3A_510 = vector.shape_cast %get3A_509 : vector<16xi32> to vector<16xi32>
    %get3A_511 = arith.constant 16 : index
    %get3A_512 = tpu.vector_load %arg7[%get3A_511] {strides = array<i32>} : memref<128xi32, #tpu.memory_space<vmem>>, vector<16xi32>,
    %get3A_513 = vector.shape_cast %get3A_512 : vector<16xi32> to vector<16xi32>
    %get3A_514 = arith.constant 16 : index
    %get3A_515 = tpu.vector_load %arg10[%get3A_514] {strides = array<i32>} : memref<128xf32, #tpu.memory_space<vmem>>, vector<16xf32>,
    %get3A_516 = vector.shape_cast %get3A_515 : vector<16xf32> to vector<16xf32>
    %get3A_517 = arith.constant 16 : index
    %get3A_518 = tpu.vector_load %arg11[%get3A_517] {strides = array<i32>} : memref<128xf32, #tpu.memory_space<vmem>>, vector<16xf32>,
    %get3A_519 = vector.shape_cast %get3A_518 : vector<16xf32> to vector<16xf32>
    %eq3A_520 = arith.constant 1 : i32
    %eq3A_521 = vector.broadcast %eq3A_520 : i32 to vector<16xi32>
    %eq3A_522 = arith.cmpi eq, %get3A_510, %eq3A_521 : vector<16xi32>
    %eq3A_523 = arith.constant 1 : i32
    %eq3A_524 = vector.broadcast %eq3A_523 : i32 to vector<16xi32>
    %eq3A_525 = arith.cmpi eq, %get3A_513, %eq3A_524 : vector<16xi32>
    %jit3A_526 = arith.constant 0.000000e+00 : f32
    %broadcast_in_dim3A_527 = vector.broadcast %jit3A_526 : f32 to vector<16xf32>
    %select_n3A_528 = arith.select %eq3A_522, %broadcast_in_dim3A_527, %get3A_516 : vector<16xi1>, vector<16xf32>
    %add3A_529 = arith.constant 9.99999968E-21 : f32
    %add3A_530 = vector.broadcast %add3A_529 : f32 to vector<16xf32>
    %add3A_531 = arith.addf %select_n3A_528, %add3A_530 : vector<16xf32>
    %jit3A_532 = arith.constant 0.000000e+00 : f32
    %broadcast_in_dim3A_533 = vector.broadcast %jit3A_532 : f32 to vector<16xf32>
    %select_n3A_534 = arith.select %eq3A_525, %broadcast_in_dim3A_533, %get3A_519 : vector<16xi1>, vector<16xf32>
    %add3A_535 = arith.addf %add3A_531, %select_n3A_534 : vector<16xf32>
    %and3A_536 = arith.andi %eq3A_522, %eq3A_525 : vector<16xi1>
    %jit3A_537 = arith.constant 0.000000e+00 : f32
    %broadcast_in_dim3A_538 = vector.broadcast %jit3A_537 : f32 to vector<16xf32>
    %select_n3A_539 = arith.select %and3A_536, %get3A_519, %broadcast_in_dim3A_538 : vector<16xi1>, vector<16xf32>
    %add3A_540 = arith.addf %add3A_535, %select_n3A_539 : vector<16xf32>
    %eq3A_541 = arith.constant 0 : i32
    %eq3A_542 = vector.broadcast %eq3A_541 : i32 to vector<16xi32>
    %eq3A_543 = arith.cmpi eq, %get3A_513, %eq3A_542 : vector<16xi32>
    %jit3A_544 = arith.constant 1.000000e+00 : f32
    %broadcast_in_dim3A_545 = vector.broadcast %jit3A_544 : f32 to vector<16xf32>
    %select_n3A_546 = arith.select %eq3A_543, %broadcast_in_dim3A_545, %add3A_540 : vector<16xi1>, vector<16xf32>
    %swap3A_547 = arith.constant 16 : index
    %swap3A_548 = tpu.vector_load %arg12[%swap3A_547] {strides = array<i32>} : memref<128xf32, #tpu.memory_space<vmem>>, vector<16xf32>,
    %swap3A_549 = vector.shape_cast %swap3A_548 : vector<16xf32> to vector<16xf32>
    %swap3A_550 = vector.shape_cast %select_n3A_546 : vector<16xf32> to vector<16xf32>
    tpu.vector_store %arg12[%swap3A_547], %swap3A_550 {strides = array<i32>} : memref<128xf32, #tpu.memory_space<vmem>>, vector<16xf32>,
    %get3A_551 = arith.constant 32 : index
    %get3A_552 = tpu.vector_load %arg6[%get3A_551] {strides = array<i32>} : memref<128xi32, #tpu.memory_space<vmem>>, vector<16xi32>,
    %get3A_553 = vector.shape_cast %get3A_552 : vector<16xi32> to vector<16xi32>
    %get3A_554 = arith.constant 32 : index
    %get3A_555 = tpu.vector_load %arg7[%get3A_554] {strides = array<i32>} : memref<128xi32, #tpu.memory_space<vmem>>, vector<16xi32>,
    %get3A_556 = vector.shape_cast %get3A_555 : vector<16xi32> to vector<16xi32>
    %get3A_557 = arith.constant 32 : index
    %get3A_558 = tpu.vector_load %arg10[%get3A_557] {strides = array<i32>} : memref<128xf32, #tpu.memory_space<vmem>>, vector<16xf32>,
    %get3A_559 = vector.shape_cast %get3A_558 : vector<16xf32> to vector<16xf32>
    %get3A_560 = arith.constant 32 : index
    %get3A_561 = tpu.vector_load %arg11[%get3A_560] {strides = array<i32>} : memref<128xf32, #tpu.memory_space<vmem>>, vector<16xf32>,
    %get3A_562 = vector.shape_cast %get3A_561 : vector<16xf32> to vector<16xf32>
    %eq3A_563 = arith.constant 1 : i32
    %eq3A_564 = vector.broadcast %eq3A_563 : i32 to vector<16xi32>
    %eq3A_565 = arith.cmpi eq, %get3A_553, %eq3A_564 : vector<16xi32>
    %eq3A_566 = arith.constant 1 : i32
    %eq3A_567 = vector.broadcast %eq3A_566 : i32 to vector<16xi32>
    %eq3A_568 = arith.cmpi eq, %get3A_556, %eq3A_567 : vector<16xi32>
    %jit3A_569 = arith.constant 0.000000e+00 : f32
    %broadcast_in_dim3A_570 = vector.broadcast %jit3A_569 : f32 to vector<16xf32>
    %select_n3A_571 = arith.select %eq3A_565, %broadcast_in_dim3A_570, %get3A_559 : vector<16xi1>, vector<16xf32>
    %add3A_572 = arith.constant 9.99999968E-21 : f32
    %add3A_573 = vector.broadcast %add3A_572 : f32 to vector<16xf32>
    %add3A_574 = arith.addf %select_n3A_571, %add3A_573 : vector<16xf32>
    %jit3A_575 = arith.constant 0.000000e+00 : f32
    %broadcast_in_dim3A_576 = vector.broadcast %jit3A_575 : f32 to vector<16xf32>
    %select_n3A_577 = arith.select %eq3A_568, %broadcast_in_dim3A_576, %get3A_562 : vector<16xi1>, vector<16xf32>
    %add3A_578 = arith.addf %add3A_574, %select_n3A_577 : vector<16xf32>
    %and3A_579 = arith.andi %eq3A_565, %eq3A_568 : vector<16xi1>
    %jit3A_580 = arith.constant 0.000000e+00 : f32
    %broadcast_in_dim3A_581 = vector.broadcast %jit3A_580 : f32 to vector<16xf32>
    %select_n3A_582 = arith.select %and3A_579, %get3A_562, %broadcast_in_dim3A_581 : vector<16xi1>, vector<16xf32>
    %add3A_583 = arith.addf %add3A_578, %select_n3A_582 : vector<16xf32>
    %eq3A_584 = arith.constant 0 : i32
    %eq3A_585 = vector.broadcast %eq3A_584 : i32 to vector<16xi32>
    %eq3A_586 = arith.cmpi eq, %get3A_556, %eq3A_585 : vector<16xi32>
    %jit3A_587 = arith.constant 1.000000e+00 : f32
    %broadcast_in_dim3A_588 = vector.broadcast %jit3A_587 : f32 to vector<16xf32>
    %select_n3A_589 = arith.select %eq3A_586, %broadcast_in_dim3A_588, %add3A_583 : vector<16xi1>, vector<16xf32>
    %swap3A_590 = arith.constant 32 : index
    %swap3A_591 = tpu.vector_load %arg12[%swap3A_590] {strides = array<i32>} : memref<128xf32, #tpu.memory_space<vmem>>, vector<16xf32>,
    %swap3A_592 = vector.shape_cast %swap3A_591 : vector<16xf32> to vector<16xf32>
    %swap3A_593 = vector.shape_cast %select_n3A_589 : vector<16xf32> to vector<16xf32>
    tpu.vector_store %arg12[%swap3A_590], %swap3A_593 {strides = array<i32>} : memref<128xf32, #tpu.memory_space<vmem>>, vector<16xf32>,
    %get3A_594 = arith.constant 48 : index
    %get3A_595 = tpu.vector_load %arg6[%get3A_594] {strides = array<i32>} : memref<128xi32, #tpu.memory_space<vmem>>, vector<16xi32>,
    %get3A_596 = vector.shape_cast %get3A_595 : vector<16xi32> to vector<16xi32>
    %get3A_597 = arith.constant 48 : index
    %get3A_598 = tpu.vector_load %arg7[%get3A_597] {strides = array<i32>} : memref<128xi32, #tpu.memory_space<vmem>>, vector<16xi32>,
    %get3A_599 = vector.shape_cast %get3A_598 : vector<16xi32> to vector<16xi32>
    %get3A_600 = arith.constant 48 : index
    %get3A_601 = tpu.vector_load %arg10[%get3A_600] {strides = array<i32>} : memref<128xf32, #tpu.memory_space<vmem>>, vector<16xf32>,
    %get3A_602 = vector.shape_cast %get3A_601 : vector<16xf32> to vector<16xf32>
    %get3A_603 = arith.constant 48 : index
    %get3A_604 = tpu.vector_load %arg11[%get3A_603] {strides = array<i32>} : memref<128xf32, #tpu.memory_space<vmem>>, vector<16xf32>,
    %get3A_605 = vector.shape_cast %get3A_604 : vector<16xf32> to vector<16xf32>
    %eq3A_606 = arith.constant 1 : i32
    %eq3A_607 = vector.broadcast %eq3A_606 : i32 to vector<16xi32>
    %eq3A_608 = arith.cmpi eq, %get3A_596, %eq3A_607 : vector<16xi32>
    %eq3A_609 = arith.constant 1 : i32
    %eq3A_610 = vector.broadcast %eq3A_609 : i32 to vector<16xi32>
    %eq3A_611 = arith.cmpi eq, %get3A_599, %eq3A_610 : vector<16xi32>
    %jit3A_612 = arith.constant 0.000000e+00 : f32
    %broadcast_in_dim3A_613 = vector.broadcast %jit3A_612 : f32 to vector<16xf32>
    %select_n3A_614 = arith.select %eq3A_608, %broadcast_in_dim3A_613, %get3A_602 : vector<16xi1>, vector<16xf32>
    %add3A_615 = arith.constant 9.99999968E-21 : f32
    %add3A_616 = vector.broadcast %add3A_615 : f32 to vector<16xf32>
    %add3A_617 = arith.addf %select_n3A_614, %add3A_616 : vector<16xf32>
    %jit3A_618 = arith.constant 0.000000e+00 : f32
    %broadcast_in_dim3A_619 = vector.broadcast %jit3A_618 : f32 to vector<16xf32>
    %select_n3A_620 = arith.select %eq3A_611, %broadcast_in_dim3A_619, %get3A_605 : vector<16xi1>, vector<16xf32>
    %add3A_621 = arith.addf %add3A_617, %select_n3A_620 : vector<16xf32>
    %and3A_622 = arith.andi %eq3A_608, %eq3A_611 : vector<16xi1>
    %jit3A_623 = arith.constant 0.000000e+00 : f32
    %broadcast_in_dim3A_624 = vector.broadcast %jit3A_623 : f32 to vector<16xf32>
    %select_n3A_625 = arith.select %and3A_622, %get3A_605, %broadcast_in_dim3A_624 : vector<16xi1>, vector<16xf32>
    %add3A_626 = arith.addf %add3A_621, %select_n3A_625 : vector<16xf32>
    %eq3A_627 = arith.constant 0 : i32
    %eq3A_628 = vector.broadcast %eq3A_627 : i32 to vector<16xi32>
    %eq3A_629 = arith.cmpi eq, %get3A_599, %eq3A_628 : vector<16xi32>
    %jit3A_630 = arith.constant 1.000000e+00 : f32
    %broadcast_in_dim3A_631 = vector.broadcast %jit3A_630 : f32 to vector<16xf32>
    %select_n3A_632 = arith.select %eq3A_629, %broadcast_in_dim3A_631, %add3A_626 : vector<16xi1>, vector<16xf32>
    %swap3A_633 = arith.constant 48 : index
    %swap3A_634 = tpu.vector_load %arg12[%swap3A_633] {strides = array<i32>} : memref<128xf32, #tpu.memory_space<vmem>>, vector<16xf32>,
    %swap3A_635 = vector.shape_cast %swap3A_634 : vector<16xf32> to vector<16xf32>
    %swap3A_636 = vector.shape_cast %select_n3A_632 : vector<16xf32> to vector<16xf32>
    tpu.vector_store %arg12[%swap3A_633], %swap3A_636 {strides = array<i32>} : memref<128xf32, #tpu.memory_space<vmem>>, vector<16xf32>,
    %get3A_637 = arith.constant 64 : index
    %get3A_638 = tpu.vector_load %arg6[%get3A_637] {strides = array<i32>} : memref<128xi32, #tpu.memory_space<vmem>>, vector<16xi32>,
    %get3A_639 = vector.shape_cast %get3A_638 : vector<16xi32> to vector<16xi32>
    %get3A_640 = arith.constant 64 : index
    %get3A_641 = tpu.vector_load %arg7[%get3A_640] {strides = array<i32>} : memref<128xi32, #tpu.memory_space<vmem>>, vector<16xi32>,
    %get3A_642 = vector.shape_cast %get3A_641 : vector<16xi32> to vector<16xi32>
    %get3A_643 = arith.constant 64 : index
    %get3A_644 = tpu.vector_load %arg10[%get3A_643] {strides = array<i32>} : memref<128xf32, #tpu.memory_space<vmem>>, vector<16xf32>,
    %get3A_645 = vector.shape_cast %get3A_644 : vector<16xf32> to vector<16xf32>
    %get3A_646 = arith.constant 64 : index
    %get3A_647 = tpu.vector_load %arg11[%get3A_646] {strides = array<i32>} : memref<128xf32, #tpu.memory_space<vmem>>, vector<16xf32>,
    %get3A_648 = vector.shape_cast %get3A_647 : vector<16xf32> to vector<16xf32>
    %eq3A_649 = arith.constant 1 : i32
    %eq3A_650 = vector.broadcast %eq3A_649 : i32 to vector<16xi32>
    %eq3A_651 = arith.cmpi eq, %get3A_639, %eq3A_650 : vector<16xi32>
    %eq3A_652 = arith.constant 1 : i32
    %eq3A_653 = vector.broadcast %eq3A_652 : i32 to vector<16xi32>
    %eq3A_654 = arith.cmpi eq, %get3A_642, %eq3A_653 : vector<16xi32>
    %jit3A_655 = arith.constant 0.000000e+00 : f32
    %broadcast_in_dim3A_656 = vector.broadcast %jit3A_655 : f32 to vector<16xf32>
    %select_n3A_657 = arith.select %eq3A_651, %broadcast_in_dim3A_656, %get3A_645 : vector<16xi1>, vector<16xf32>
    %add3A_658 = arith.constant 9.99999968E-21 : f32
    %add3A_659 = vector.broadcast %add3A_658 : f32 to vector<16xf32>
    %add3A_660 = arith.addf %select_n3A_657, %add3A_659 : vector<16xf32>
    %jit3A_661 = arith.constant 0.000000e+00 : f32
    %broadcast_in_dim3A_662 = vector.broadcast %jit3A_661 : f32 to vector<16xf32>
    %select_n3A_663 = arith.select %eq3A_654, %broadcast_in_dim3A_662, %get3A_648 : vector<16xi1>, vector<16xf32>
    %add3A_664 = arith.addf %add3A_660, %select_n3A_663 : vector<16xf32>
    %and3A_665 = arith.andi %eq3A_651, %eq3A_654 : vector<16xi1>
    %jit3A_666 = arith.constant 0.000000e+00 : f32
    %broadcast_in_dim3A_667 = vector.broadcast %jit3A_666 : f32 to vector<16xf32>
    %select_n3A_668 = arith.select %and3A_665, %get3A_648, %broadcast_in_dim3A_667 : vector<16xi1>, vector<16xf32>
    %add3A_669 = arith.addf %add3A_664, %select_n3A_668 : vector<16xf32>
    %eq3A_670 = arith.constant 0 : i32
    %eq3A_671 = vector.broadcast %eq3A_670 : i32 to vector<16xi32>
    %eq3A_672 = arith.cmpi eq, %get3A_642, %eq3A_671 : vector<16xi32>
    %jit3A_673 = arith.constant 1.000000e+00 : f32
    %broadcast_in_dim3A_674 = vector.broadcast %jit3A_673 : f32 to vector<16xf32>
    %select_n3A_675 = arith.select %eq3A_672, %broadcast_in_dim3A_674, %add3A_669 : vector<16xi1>, vector<16xf32>
    %swap3A_676 = arith.constant 64 : index
    %swap3A_677 = tpu.vector_load %arg12[%swap3A_676] {strides = array<i32>} : memref<128xf32, #tpu.memory_space<vmem>>, vector<16xf32>,
    %swap3A_678 = vector.shape_cast %swap3A_677 : vector<16xf32> to vector<16xf32>
    %swap3A_679 = vector.shape_cast %select_n3A_675 : vector<16xf32> to vector<16xf32>
    tpu.vector_store %arg12[%swap3A_676], %swap3A_679 {strides = array<i32>} : memref<128xf32, #tpu.memory_space<vmem>>, vector<16xf32>,
    %get3A_680 = arith.constant 80 : index
    %get3A_681 = tpu.vector_load %arg6[%get3A_680] {strides = array<i32>} : memref<128xi32, #tpu.memory_space<vmem>>, vector<16xi32>,
    %get3A_682 = vector.shape_cast %get3A_681 : vector<16xi32> to vector<16xi32>
    %get3A_683 = arith.constant 80 : index
    %get3A_684 = tpu.vector_load %arg7[%get3A_683] {strides = array<i32>} : memref<128xi32, #tpu.memory_space<vmem>>, vector<16xi32>,
    %get3A_685 = vector.shape_cast %get3A_684 : vector<16xi32> to vector<16xi32>
    %get3A_686 = arith.constant 80 : index
    %get3A_687 = tpu.vector_load %arg10[%get3A_686] {strides = array<i32>} : memref<128xf32, #tpu.memory_space<vmem>>, vector<16xf32>,
    %get3A_688 = vector.shape_cast %get3A_687 : vector<16xf32> to vector<16xf32>
    %get3A_689 = arith.constant 80 : index
    %get3A_690 = tpu.vector_load %arg11[%get3A_689] {strides = array<i32>} : memref<128xf32, #tpu.memory_space<vmem>>, vector<16xf32>,
    %get3A_691 = vector.shape_cast %get3A_690 : vector<16xf32> to vector<16xf32>
    %eq3A_692 = arith.constant 1 : i32
    %eq3A_693 = vector.broadcast %eq3A_692 : i32 to vector<16xi32>
    %eq3A_694 = arith.cmpi eq, %get3A_682, %eq3A_693 : vector<16xi32>
    %eq3A_695 = arith.constant 1 : i32
    %eq3A_696 = vector.broadcast %eq3A_695 : i32 to vector<16xi32>
    %eq3A_697 = arith.cmpi eq, %get3A_685, %eq3A_696 : vector<16xi32>
    %jit3A_698 = arith.constant 0.000000e+00 : f32
    %broadcast_in_dim3A_699 = vector.broadcast %jit3A_698 : f32 to vector<16xf32>
    %select_n3A_700 = arith.select %eq3A_694, %broadcast_in_dim3A_699, %get3A_688 : vector<16xi1>, vector<16xf32>
    %add3A_701 = arith.constant 9.99999968E-21 : f32
    %add3A_702 = vector.broadcast %add3A_701 : f32 to vector<16xf32>
    %add3A_703 = arith.addf %select_n3A_700, %add3A_702 : vector<16xf32>
    %jit3A_704 = arith.constant 0.000000e+00 : f32
    %broadcast_in_dim3A_705 = vector.broadcast %jit3A_704 : f32 to vector<16xf32>
    %select_n3A_706 = arith.select %eq3A_697, %broadcast_in_dim3A_705, %get3A_691 : vector<16xi1>, vector<16xf32>
    %add3A_707 = arith.addf %add3A_703, %select_n3A_706 : vector<16xf32>
    %and3A_708 = arith.andi %eq3A_694, %eq3A_697 : vector<16xi1>
    %jit3A_709 = arith.constant 0.000000e+00 : f32
    %broadcast_in_dim3A_710 = vector.broadcast %jit3A_709 : f32 to vector<16xf32>
    %select_n3A_711 = arith.select %and3A_708, %get3A_691, %broadcast_in_dim3A_710 : vector<16xi1>, vector<16xf32>
    %add3A_712 = arith.addf %add3A_707, %select_n3A_711 : vector<16xf32>
    %eq3A_713 = arith.constant 0 : i32
    %eq3A_714 = vector.broadcast %eq3A_713 : i32 to vector<16xi32>
    %eq3A_715 = arith.cmpi eq, %get3A_685, %eq3A_714 : vector<16xi32>
    %jit3A_716 = arith.constant 1.000000e+00 : f32
    %broadcast_in_dim3A_717 = vector.broadcast %jit3A_716 : f32 to vector<16xf32>
    %select_n3A_718 = arith.select %eq3A_715, %broadcast_in_dim3A_717, %add3A_712 : vector<16xi1>, vector<16xf32>
    %swap3A_719 = arith.constant 80 : index
    %swap3A_720 = tpu.vector_load %arg12[%swap3A_719] {strides = array<i32>} : memref<128xf32, #tpu.memory_space<vmem>>, vector<16xf32>,
    %swap3A_721 = vector.shape_cast %swap3A_720 : vector<16xf32> to vector<16xf32>
    %swap3A_722 = vector.shape_cast %select_n3A_718 : vector<16xf32> to vector<16xf32>
    tpu.vector_store %arg12[%swap3A_719], %swap3A_722 {strides = array<i32>} : memref<128xf32, #tpu.memory_space<vmem>>, vector<16xf32>,
    %get3A_723 = arith.constant 96 : index
    %get3A_724 = tpu.vector_load %arg6[%get3A_723] {strides = array<i32>} : memref<128xi32, #tpu.memory_space<vmem>>, vector<16xi32>,
    %get3A_725 = vector.shape_cast %get3A_724 : vector<16xi32> to vector<16xi32>
    %get3A_726 = arith.constant 96 : index
    %get3A_727 = tpu.vector_load %arg7[%get3A_726] {strides = array<i32>} : memref<128xi32, #tpu.memory_space<vmem>>, vector<16xi32>,
    %get3A_728 = vector.shape_cast %get3A_727 : vector<16xi32> to vector<16xi32>
    %get3A_729 = arith.constant 96 : index
    %get3A_730 = tpu.vector_load %arg10[%get3A_729] {strides = array<i32>} : memref<128xf32, #tpu.memory_space<vmem>>, vector<16xf32>,
    %get3A_731 = vector.shape_cast %get3A_730 : vector<16xf32> to vector<16xf32>
    %get3A_732 = arith.constant 96 : index
    %get3A_733 = tpu.vector_load %arg11[%get3A_732] {strides = array<i32>} : memref<128xf32, #tpu.memory_space<vmem>>, vector<16xf32>,
    %get3A_734 = vector.shape_cast %get3A_733 : vector<16xf32> to vector<16xf32>
    %eq3A_735 = arith.constant 1 : i32
    %eq3A_736 = vector.broadcast %eq3A_735 : i32 to vector<16xi32>
    %eq3A_737 = arith.cmpi eq, %get3A_725, %eq3A_736 : vector<16xi32>
    %eq3A_738 = arith.constant 1 : i32
    %eq3A_739 = vector.broadcast %eq3A_738 : i32 to vector<16xi32>
    %eq3A_740 = arith.cmpi eq, %get3A_728, %eq3A_739 : vector<16xi32>
    %jit3A_741 = arith.constant 0.000000e+00 : f32
    %broadcast_in_dim3A_742 = vector.broadcast %jit3A_741 : f32 to vector<16xf32>
    %select_n3A_743 = arith.select %eq3A_737, %broadcast_in_dim3A_742, %get3A_731 : vector<16xi1>, vector<16xf32>
    %add3A_744 = arith.constant 9.99999968E-21 : f32
    %add3A_745 = vector.broadcast %add3A_744 : f32 to vector<16xf32>
    %add3A_746 = arith.addf %select_n3A_743, %add3A_745 : vector<16xf32>
    %jit3A_747 = arith.constant 0.000000e+00 : f32
    %broadcast_in_dim3A_748 = vector.broadcast %jit3A_747 : f32 to vector<16xf32>
    %select_n3A_749 = arith.select %eq3A_740, %broadcast_in_dim3A_748, %get3A_734 : vector<16xi1>, vector<16xf32>
    %add3A_750 = arith.addf %add3A_746, %select_n3A_749 : vector<16xf32>
    %and3A_751 = arith.andi %eq3A_737, %eq3A_740 : vector<16xi1>
    %jit3A_752 = arith.constant 0.000000e+00 : f32
    %broadcast_in_dim3A_753 = vector.broadcast %jit3A_752 : f32 to vector<16xf32>
    %select_n3A_754 = arith.select %and3A_751, %get3A_734, %broadcast_in_dim3A_753 : vector<16xi1>, vector<16xf32>
    %add3A_755 = arith.addf %add3A_750, %select_n3A_754 : vector<16xf32>
    %eq3A_756 = arith.constant 0 : i32
    %eq3A_757 = vector.broadcast %eq3A_756 : i32 to vector<16xi32>
    %eq3A_758 = arith.cmpi eq, %get3A_728, %eq3A_757 : vector<16xi32>
    %jit3A_759 = arith.constant 1.000000e+00 : f32
    %broadcast_in_dim3A_760 = vector.broadcast %jit3A_759 : f32 to vector<16xf32>
    %select_n3A_761 = arith.select %eq3A_758, %broadcast_in_dim3A_760, %add3A_755 : vector<16xi1>, vector<16xf32>
    %swap3A_762 = arith.constant 96 : index
    %swap3A_763 = tpu.vector_load %arg12[%swap3A_762] {strides = array<i32>} : memref<128xf32, #tpu.memory_space<vmem>>, vector<16xf32>,
    %swap3A_764 = vector.shape_cast %swap3A_763 : vector<16xf32> to vector<16xf32>
    %swap3A_765 = vector.shape_cast %select_n3A_761 : vector<16xf32> to vector<16xf32>
    tpu.vector_store %arg12[%swap3A_762], %swap3A_765 {strides = array<i32>} : memref<128xf32, #tpu.memory_space<vmem>>, vector<16xf32>,
    %get3A_766 = arith.constant 112 : index
    %get3A_767 = tpu.vector_load %arg6[%get3A_766] {strides = array<i32>} : memref<128xi32, #tpu.memory_space<vmem>>, vector<16xi32>,
    %get3A_768 = vector.shape_cast %get3A_767 : vector<16xi32> to vector<16xi32>
    %get3A_769 = arith.constant 112 : index
    %get3A_770 = tpu.vector_load %arg7[%get3A_769] {strides = array<i32>} : memref<128xi32, #tpu.memory_space<vmem>>, vector<16xi32>,
    %get3A_771 = vector.shape_cast %get3A_770 : vector<16xi32> to vector<16xi32>
    %get3A_772 = arith.constant 112 : index
    %get3A_773 = tpu.vector_load %arg10[%get3A_772] {strides = array<i32>} : memref<128xf32, #tpu.memory_space<vmem>>, vector<16xf32>,
    %get3A_774 = vector.shape_cast %get3A_773 : vector<16xf32> to vector<16xf32>
    %get3A_775 = arith.constant 112 : index
    %get3A_776 = tpu.vector_load %arg11[%get3A_775] {strides = array<i32>} : memref<128xf32, #tpu.memory_space<vmem>>, vector<16xf32>,
    %get3A_777 = vector.shape_cast %get3A_776 : vector<16xf32> to vector<16xf32>
    %eq3A_778 = arith.constant 1 : i32
    %eq3A_779 = vector.broadcast %eq3A_778 : i32 to vector<16xi32>
    %eq3A_780 = arith.cmpi eq, %get3A_768, %eq3A_779 : vector<16xi32>
    %eq3A_781 = arith.constant 1 : i32
    %eq3A_782 = vector.broadcast %eq3A_781 : i32 to vector<16xi32>
    %eq3A_783 = arith.cmpi eq, %get3A_771, %eq3A_782 : vector<16xi32>
    %jit3A_784 = arith.constant 0.000000e+00 : f32
    %broadcast_in_dim3A_785 = vector.broadcast %jit3A_784 : f32 to vector<16xf32>
    %select_n3A_786 = arith.select %eq3A_780, %broadcast_in_dim3A_785, %get3A_774 : vector<16xi1>, vector<16xf32>
    %add3A_787 = arith.constant 9.99999968E-21 : f32
    %add3A_788 = vector.broadcast %add3A_787 : f32 to vector<16xf32>
    %add3A_789 = arith.addf %select_n3A_786, %add3A_788 : vector<16xf32>
    %jit3A_790 = arith.constant 0.000000e+00 : f32
    %broadcast_in_dim3A_791 = vector.broadcast %jit3A_790 : f32 to vector<16xf32>
    %select_n3A_792 = arith.select %eq3A_783, %broadcast_in_dim3A_791, %get3A_777 : vector<16xi1>, vector<16xf32>
    %add3A_793 = arith.addf %add3A_789, %select_n3A_792 : vector<16xf32>
    %and3A_794 = arith.andi %eq3A_780, %eq3A_783 : vector<16xi1>
    %jit3A_795 = arith.constant 0.000000e+00 : f32
    %broadcast_in_dim3A_796 = vector.broadcast %jit3A_795 : f32 to vector<16xf32>
    %select_n3A_797 = arith.select %and3A_794, %get3A_777, %broadcast_in_dim3A_796 : vector<16xi1>, vector<16xf32>
    %add3A_798 = arith.addf %add3A_793, %select_n3A_797 : vector<16xf32>
    %eq3A_799 = arith.constant 0 : i32
    %eq3A_800 = vector.broadcast %eq3A_799 : i32 to vector<16xi32>
    %eq3A_801 = arith.cmpi eq, %get3A_771, %eq3A_800 : vector<16xi32>
    %jit3A_802 = arith.constant 1.000000e+00 : f32
    %broadcast_in_dim3A_803 = vector.broadcast %jit3A_802 : f32 to vector<16xf32>
    %select_n3A_804 = arith.select %eq3A_801, %broadcast_in_dim3A_803, %add3A_798 : vector<16xi1>, vector<16xf32>
    %swap3A_805 = arith.constant 112 : index
    %swap3A_806 = tpu.vector_load %arg12[%swap3A_805] {strides = array<i32>} : memref<128xf32, #tpu.memory_space<vmem>>, vector<16xf32>,
    %swap3A_807 = vector.shape_cast %swap3A_806 : vector<16xf32> to vector<16xf32>
    %swap3A_808 = vector.shape_cast %select_n3A_804 : vector<16xf32> to vector<16xf32>
    tpu.vector_store %arg12[%swap3A_805], %swap3A_808 {strides = array<i32>} : memref<128xf32, #tpu.memory_space<vmem>>, vector<16xf32>,
    "tpu.region"() ({
      %run_scoped3A = tpu.sem_alloc : memref<!tpu.dma_semaphore, #tpu.memory_space<semaphore_mem>>
      %dma_start3A_809 = tpu.memref_slice %arg5[%mul3A_32] : memref<4096xf32, #tpu.memory_space<hbm>> -> memref<128xf32, #tpu.memory_space<hbm>>
      %dma_start3A_810 = tpu.memref_slice %arg5[%mul3A_32] : memref<4096xf32, #tpu.memory_space<hbm>> -> memref<128xf32, #tpu.memory_space<hbm>>
      tpu.enqueue_dma source(%arg12 : memref<128xf32, #tpu.memory_space<vmem>>) target(%dma_start3A_810 : memref<128xf32, #tpu.memory_space<hbm>>) target_semaphore(%run_scoped3A : memref<!tpu.dma_semaphore, #tpu.memory_space<semaphore_mem>>)
      %dma_wait3A_811 = tpu.memref_slice %arg5[%mul3A_32] : memref<4096xf32, #tpu.memory_space<hbm>> -> memref<128xf32, #tpu.memory_space<hbm>>
      %dma_wait3A_812 = tpu.memref_slice %arg5[%mul3A_32] : memref<4096xf32, #tpu.memory_space<hbm>> -> memref<128xf32, #tpu.memory_space<hbm>>
      tpu.wait_dma2 semaphore(%run_scoped3A : memref<!tpu.dma_semaphore, #tpu.memory_space<semaphore_mem>>) src(%arg12 : memref<128xf32, #tpu.memory_space<vmem>>) dst(%dma_wait3A_812 : memref<128xf32, #tpu.memory_space<hbm>>)
      tpu.yield
    }) : () -> ()
    return
  }
}

module attributes {stable_mosaic.version = 14 : i64} {
  func.func @body(%arg0: memref<32x128xf32, #tpu.memory_space<vmem>>, %arg1: memref<1x1xf32, #tpu.memory_space<smem>>) attributes {dimension_semantics = [], scalar_prefetch = 0 : i64, scratch_operands = 0 : i64, tpu.core_type = #tpu.core_type<tc>} {
    %get3A = arith.constant 0 : index
    %get3A_0 = arith.constant 0 : index
    %get3A_1 = vector.load %arg0[%get3A, %get3A_0] : memref<32x128xf32, #tpu.memory_space<vmem>>, vector<32x128xf32>
    %log3A = math.log %get3A_1 : vector<32x128xf32>
    %reduce_sum3A = vector.shape_cast %log3A : vector<32x128xf32> to vector<1x32x128xf32>
    %reduce_sum3A_2 = arith.constant dense<0.000000e+00> : vector<1xf32>
    %reduce_sum3A_3 = vector.multi_reduction <add>, %reduce_sum3A, %reduce_sum3A_2 [1, 2] : vector<1x32x128xf32> to vector<1xf32>
    %reduce_sum3A_4 = vector.shape_cast %reduce_sum3A_3 : vector<1xf32> to vector<1x1x1xf32>
    %reduce_sum3A_5 = vector.extract %reduce_sum3A_4[0, 0, 0] : f32 from vector<1x1x1xf32>
    %neg3A = arith.constant 0.000000e+00 : f32
    %neg3A_6 = arith.subf %neg3A, %reduce_sum3A_5 : f32
    %swap3A = arith.constant 0 : index
    %swap3A_7 = arith.constant 0 : index
    %swap3A_8 = memref.load %arg1[%swap3A, %swap3A_7] : memref<1x1xf32, #tpu.memory_space<smem>>
    memref.store %neg3A_6, %arg1[%swap3A, %swap3A_7] : memref<1x1xf32, #tpu.memory_space<smem>>
    return
  }
}

</mosaic_0001>

<sc_bundles>
// kernel: kernel.4.cloned.1.call-start
scs
__scs_entry_jumppad:
0x0: {  	(pc) =	sbr.rel $0x88, $3  }
0x1: {  	(tag) =	ssettag $0x0;
	lr =	simm.s32 $0x1  }
0x2: {  	[smem:$0x3F9E] =	sst lr;
	_ =	strace $0xD0000000  }
0x3: {  	_ = 	snop  }
0x4: {  	_ = 	snop  }
0x5: {  	_ = 	snop  }
0x6: {  	_ = 	snop  }
0x7: {  	_ = 	snop  }
__scs_overlays_trampoline_lowered:
0x8: {  	[smem:$0x3FAD] =	sst s0  }
0x9: {  	[smem:$0x3FAE] =	sst s1  }
0xa: {  	[smem:$0x3FAF] =	sst s2  }
0xb: {  	[smem:$0x3FB0] =	sst s3  }
0xc: {  	[smem:$0x3FB1] =	sst s4  }
0xd: {  	[smem:$0x3FB2] =	sst s5  }
0xe: {  	[smem:$0x3FB3] =	sst s6  }
0xf: {  	[smem:$0x3FB4] =	sst s7  }
0x10: {  	[smem:$0x3FB5] =	sst s8  }
0x11: {  	[smem:$0x3FB6] =	sst s9;
	s0 =	simm.s32 @!p0 $0x0  }
0x12: {  	s1 =	sld [smem:$0x3F9C];
	s0 =	simm.s32 @p0 $0x1  }
0x13: {  	[smem:$0x3FB7] =	sst s0;
	s0 =	simm.s32 @!p1 $0x0  }
0x14: {  	s2 =	sld [smem:$0x3F9B];
	s0 =	simm.s32 @p1 $0x1  }
0x15: {  	[smem:$0x3FB8] =	sst s0;
	s0 =	simm.s32 @!p2 $0x0  }
0x16: {  	s3 =	sld [smem:$0x3FDB];
	s0 =	simm.s32 @p2 $0x1  }
0x17: {  	s4 =	simm.s32 $0x1BF5;
	[smem:$0x3FBA] =	sst s0  }
0x18: {  	s0 =	sld [smem:$0x3F9D];
	_ =	swait.ge [sflag:s4], $0x0  }
0x19: {  	s7 =	sld [smem:$0x3F9E]  }
0x1a: {  	s8 =	sadd.s32 $0xFFFFE003, lr  }
0x1b: {  	s9 =	sadd.s32 $0xFFFFFEF7, lr;
	s5 =	simm.s32 $0xFFFFFFFF;
	p2 =	slt.u32 s8, $0xFFFFF086  }
0x1c: {  	p1 =	slt.u32 s9, $0xF7A;
	s5 =	simm.s32 @!p2 $0x0  }
0x1d: {  	s5 =	simm.s32 @p1 $0x1;
	p0 =	seq.s32 s7, s2  }
0x1e: {  	s7 =	smul.u32 @!p0 $0xF7A, s2;
	p2 =	seq.s32 @!p0 s5, $0x0  }
0x1f: {  	s9 =	smul.u32 $0xF7A, s1;
	s8 =	simm.s32 @!p0 $0x1BF5;
	p2 =	por !p2, p0  }
0x20: {  	[sflag:s8] =	ssyncset.s32 @!p0 $0xFFFFF086;
	s6 =	sadd.s32 @!p0 s3, s7;
	s7 =	simm.s32 @!p0 $0x108  }
0x21: {  	s3 =	sadd.s32 s3, s9;
	s6 =	sadd.s32 @!p0 $0x88, s6;
	s7 =	simm.s32 @p2 $0x1082  }
0x22: {  	[simem:s7], [sflag:s8] =	dma.local @!p0 [hbm:s6], $0xF7A  }
0x23: {  	s9 =	sor.u32 $0xD0000000, s2;
	s6 =	simm.s32 $0x108;
	_ =	swait.ge @!p0 [sflag:s8], $0x0  }
0x24: {  	s3 =	sadd.s32 $0x88, s3;
	s6 =	simm.s32 @!p1 $0x1082;
	[sflag:s4] =	ssyncset.s32 $0xFFFFF086  }
0x25: {  	[simem:s6], [sflag:s4] =	dma.local [hbm:s3], $0xF7A  }
0x26: {  	[smem:$0x3F9E] =	sst s1;
	(tag) =	ssettag s2;
	_ =	strace s9  }
0x27: {  	s1 =	sld [smem:$0x3FAE]  }
0x28: {  	s2 =	sld [smem:$0x3FAF]  }
0x29: {  	s4 =	sld [smem:$0x3FB1]  }
0x2a: {  	p0 =	seq.s32 s5, $0x0;
	s5 =	sld [smem:$0x3FB2]  }
0x2b: {  	s6 =	sld [smem:$0x3FB3]  }
0x2c: {  	s7 =	sld [smem:$0x3FB4]  }
0x2d: {  	s3 =	simm.s32 $0x108;
	s8 =	sld [smem:$0x3FB5]  }
0x2e: {  	s3 =	simm.s32 @!p0 $0x1082;
	s9 =	sld [smem:$0x3FB6]  }
0x2f: {  	lr =	sadd.s32 s0, s3;
	s0 =	sld [smem:$0x3FAD]  }
0x30: {  	s3 =	sld [smem:$0x3FB0]  }
0x31: {  	[smem:$0x3FB9] =	sst s10  }
0x32: {  	s10 =	sld [smem:$0x3FB7];
	_ =	sdelay $0x3  }
0x33: {  	p0 =	seq.s32 s10, $0x1;
	s10 =	sld [smem:$0x3FB9];
	_ =	sdelay $0x3  }
0x34: {  	[smem:$0x3FB9] =	sst s10  }
0x35: {  	s10 =	sld [smem:$0x3FB8];
	_ =	sdelay $0x3  }
0x36: {  	p1 =	seq.s32 s10, $0x1;
	s10 =	sld [smem:$0x3FB9];
	_ =	sdelay $0x3  }
0x37: {  	[smem:$0x3FB9] =	sst s10  }
0x38: {  	s10 =	sld [smem:$0x3FBA]  }
0x39: {  	_ = 	snop;
	(pc) =	sbr.ind lr, $3  }
0x3a: {  	_ = 	snop  }
0x3b: {  	_ = 	snop  }
0x3c: {  	p2 =	seq.s32 s10, $0x1;
	s10 =	sld [smem:$0x3FB9]  }
0x3d: {  	_ =	shalt  }
0x3e: {  	_ =	shalt  }
0x3f: {  	_ =	shalt  }
0x40: {  	_ =	shalt  }
0x41: {  	_ =	shalt  }
0x42: {  	_ =	shalt  }
0x43: {  	_ =	shalt  }
0x44: {  	_ =	shalt  }
0x45: {  	_ =	shalt  }
0x46: {  	_ =	shalt  }
0x47: {  	_ =	shalt  }
0x48: {  	_ =	shalt  }
0x49: {  	_ =	shalt  }
0x4a: {  	_ =	shalt  }
0x4b: {  	_ =	shalt  }
0x4c: {  	_ =	shalt  }
0x4d: {  	_ =	shalt  }
0x4e: {  	_ =	shalt  }
0x4f: {  	_ =	shalt  }
0x50: {  	_ =	shalt  }
0x51: {  	_ =	shalt  }
0x52: {  	_ =	shalt  }
0x53: {  	_ =	shalt  }
0x54: {  	_ =	shalt  }
0x55: {  	_ =	shalt  }
0x56: {  	_ =	shalt  }
0x57: {  	_ =	shalt  }
0x58: {  	_ =	shalt  }
0x59: {  	_ =	shalt  }
0x5a: {  	_ =	shalt  }
0x5b: {  	_ =	shalt  }
0x5c: {  	_ =	shalt  }
0x5d: {  	_ =	shalt  }
0x5e: {  	_ =	shalt  }
0x5f: {  	_ =	shalt  }
0x60: {  	_ =	shalt  }
0x61: {  	_ =	shalt  }
0x62: {  	_ =	shalt  }
0x63: {  	_ =	shalt  }
0x64: {  	_ =	shalt  }
0x65: {  	_ =	shalt  }
0x66: {  	_ =	shalt  }
0x67: {  	_ =	shalt  }
0x68: {  	_ =	shalt  }
0x69: {  	_ =	shalt  }
0x6a: {  	_ =	shalt  }
0x6b: {  	_ =	shalt  }
0x6c: {  	_ =	shalt  }
0x6d: {  	_ =	shalt  }
0x6e: {  	_ =	shalt  }
0x6f: {  	_ =	shalt  }
0x70: {  	_ =	shalt  }
0x71: {  	_ =	shalt  }
0x72: {  	_ =	shalt  }
0x73: {  	_ =	shalt  }
0x74: {  	_ =	shalt  }
0x75: {  	_ =	shalt  }
0x76: {  	_ =	shalt  }
0x77: {  	_ =	shalt  }
0x78: {  	_ =	shalt  }
0x79: {  	_ =	shalt  }
0x7a: {  	_ =	shalt  }
0x7b: {  	_ =	shalt  }
0x7c: {  	_ =	shalt  }
0x7d: {  	_ =	shalt  }
0x7e: {  	_ =	shalt  }
0x7f: {  	_ =	shalt  }
0x80: {  	_ =	shalt  }
0x81: {  	_ =	shalt  }
0x82: {  	_ =	shalt  }
0x83: {  	_ =	shalt  }
0x84: {  	_ =	shalt  }
0x85: {  	_ =	shalt  }
0x86: {  	_ =	shalt  }
0x87: {  	_ =	shalt  }
.Lfunc_end0:
.L_simem_size_0:
called_computation_lowered:
.L_overlay_start_0:
0x88: {  	s2 =	sld [smem:$0x3FD9]  }
0x89: {  	s3 =	sld [smem:$0x3FFE];
	_ =	sdelay $0x1  }
0x8a: {  	s1 =	srdreg.scid  }
0x8b: {  	s0 =	sand.u32 $0x1, s1  }
0x8c: {  	s17 =	sshll.u32 s0, $0xA;
	s2 =	sadd.s32 s3, s2  }
0x8d: {  	s2 =	sadd.s32 s2, s17  }
0x8e: {  	[smem:$0x3FC5] =	sst s2  }
0x8f: {  	_ = 	snop  }
0x90: {  	s2 =	sld [smem:$0x3FC9]  }
0x91: {  	s18 =	sld [smem:$0x3FC8]  }
0x92: {  	s4 =	sld [smem:$0x3FC7];
	(tm) =	ssettm $0x1  }
0x93: {  	s5 =	sld [smem:$0x3FFB];
	_ =	sdelay $0x3  }
0x94: {  	_ =	strace s5  }
0x95: {  	s5 =	sld [smem:$0x3FFC];
	_ =	sdelay $0x3  }
0x96: {  	_ =	strace s5  }
0x97: {  	s5 =	sld [smem:$0x3FFD];
	_ =	sdelay $0x3  }
0x98: {  	_ =	strace s5  }
0x99: {  	_ =	strace $0x8FFFFFFF  }
0x9a: {  	s19 =	sld [smem:$0x3FDB];
	_ =	sdelay $0x1  }
0x9b: {  	s6 =	simm.s32 $_scs_section_size  }
0x9c: {  	s7 =	simm.s32 $_size__tile_overlayer_lowered;
	s8 =	simm.s32 $_tile_overlayer_lowered  }
0x9d: {  	s22 =	simm.s32 $0x1BFF;
	s21 =	sshll.u32 s8, $0x1;
	s5 =	sadd.s32 s6, s19  }
0x9e: {  	s9 =	simm.s32 $0x0;
	s20 =	sshll.u32 s7, $0x1;
	s7 =	sadd.s32 s21, s5  }
0x9f: {  	[timem:s9], [sflag:s22] =	dma.local [hbm:s7], s20  }
0xa0: {  	_ =	swait.ge [sflag:s22], s20  }
0xa1: {  	s6 =	ssub.s32 $0x0, s20;
	[sflag:s22] =	ssyncset.done $0x0  }
0xa2: {  	[sflag:s22] =	ssyncadd.s32 s6;
	_ =	sdelay $0x1  }
0xa3: {  	s23 =	simm.s32 $0x1B8B  }
0xa4: {  	_ =	swait.ge [sflag:s23], $0x1  }
0xa5: {  	[sflag:s23] =	ssyncset.done $0x0  }
0xa6: {  	s25 =	simm.s32 $0x1B8E;
	s24 =	sld [smem:$0x3FFE];
	[sflag:s23] =	ssyncadd.s32 $0xFFFFFFFF  }
0xa7: {  	s26 =	simm.s32 $execute0_lowered;
	[smem:$0x3FD2] =	sst s25  }
0xa8: {  	s7 =	sshll.u32 s26, $0x1;
	_ =	strace $0x80000046;
	[dreg:$0x1] =	wrdreg $0xFFFFFFFF  }
0xa9: {  	s28 =	simm.s32 $_size_execute0_lowered;
	s5 =	sadd.s32 s5, s7;
	[dreg:$0x0] =	wrdreg $0x0  }
0xaa: {  	s7 =	sshll.u32 s28, $0x1;
	[dreg:$0x2] =	wrdreg s5  }
0xab: {  	[dreg:$0x3] =	wrdreg s7  }
0xac: {  	[dreg:$0x4] =	wrdreg $0xC0  }
0xad: {  	_ =	task [dreg:s9], $0x5FFFF  }
0xae: {  	[dreg:$0x1] =	wrdreg $0xFFFFFFFF  }
0xaf: {  	[dreg:$0x0] =	wrdreg $0x60  }
0xb0: {  	[dreg:$0x2] =	wrdreg s2  }
0xb1: {  	[dreg:$0x3] =	wrdreg s18  }
0xb2: {  	[dreg:$0x4] =	wrdreg s4  }
0xb3: {  	[dreg:$0x5] =	wrdreg s24  }
0xb4: {  	[dreg:$0x6] =	wrdreg $0x9  }
0xb5: {  	_ =	task.clear_ibuf [dreg:s9], $0x7FFFF;
	_ =	strace $0x90000046  }
0xb6: {  	s29 =	simm.s32 $0x9;
	_ =	strace $0x80000048  }
0xb7: {  	_ =	swait.ge [sflag:s29], $0x1  }
0xb8: {  	[sflag:s29] =	ssyncadd.s32 $0xFFFFFFFF  }
0xb9: {  	_ =	strace $0x90000048  }
0xba: {  	_ =	sfence  }
0xbb: {  	s30 =	sld [smem:$0x0];
	_ =	sdelay $0x2  }
0xbc: {  	s31 =	sshll.u32 s1, $0xD;
	s1 =	sshrl.u32 s1, $0x2  }
0xbd: {  	s3 =	sand.u32 $0x4000, s31;
	s1 =	sadd.s32 s1, s30  }
0xbe: {  	s0 =	sor.u32 s3, s0;
	s1 =	sshll.u32 s1, $0x11  }
0xbf: {  	s0 =	sor.u32 s1, s0  }
0xc0: {  	s0 =	sadd.s32 $0x8F2B, s0  }
0xc1: {  	[sflag:s0] =	ssyncadd.remote.s32 $0x1  }
0xc2: {  	_ =	sfence.sel $0xFFFF  }
0xc3: {  	[dreg:$0x0] =	wrdreg $0xFFFFFFFF;
	(pc) =	sbr.abs _section_cstart, $3  }
0xc4: {  	[dreg:$0x1] =	wrdreg $0xFFFFFFFF  }
0xc5: {  	_ =	task.clear_ibuf [dreg:s9], $0x2FFFF;
	_ =	strace $0x9FFFFFFF  }
0xc6: {  	(tm) =	ssettm $0x7FFFFFFF  }
0xc7: {  	_ =	shalt  }
tec
execute0_lowered:
.L_overlay_start_1:
0x0: {  	(tag) =	ssettag $0x1  }
0x1: {  	s1 =	rddreg [dreg:$0x0]  }
0x2: {  	s2 =	srdreg.scid;
	s6 =	rddreg [dreg:$0x1]  }
0x3: {  	s0 =	stileid.u32;
	s8 =	rddreg [dreg:$0x2]  }
0x4: {  	s10 =	rddreg [dreg:$0x3];
	s3 =	simm.s32 $0x0;
	s13 =	simm.s32 $0x280  }
0x5: {  	v0 =	vlaneseq.u32;
	s14 =	simm.s32 $0x1;
	s15 =	simm.s32 $0x300;
	s4 =	sand.u32 $0x1, s2  }
0x6: {  	s29 =	sshll.u32 s0, $0x1;
	s5 =	sshrl.u32 s0, $0x3;
	[smem:$0x7FF] =	sst s3;
	v4 =	vor.u32 $0x3E80020, v0  }
0x7: {  	s2 =	rddreg [dreg:$0x4];
	v2 =	vor.u32 $0x3E80000, v0;
	v5 =	vor.u32 $0x3E80030, v0;
	v6 =	vor.u32 $0x3E80040, v0;
	s7 =	sor.u32 s4, s29;
	s30 =	smul.u32 $0xFAD0, s5  }
0x8: {  	v7 =	vor.u32 $0x3E80050, v0;
	v8 =	vor.u32 $0x3E80060, v0;
	_ =	strace $0x80000047;
	s4 =	ssub.s32 $0x2, s4;
	s5 =	sshll.u32 s5, $0x4  }
0x9: {  	v3 =	vor.u32 $0x3E80010, v0;
	v9 =	vor.u32 $0x3E80070, v0;
	v10 =	vor.u32 $0x10, v0;
	s9 =	sand.u32 $0xF, s7;
	s7 =	sshll.u32 s7, $0x4;
	s12 =	sshrl.u32 s4, $0x1  }
0xa: {  	v11 =	vor.u32 $0x20, v0;
	v12 =	vor.u32 $0x30, v0;
	v13 =	vor.u32 $0x40, v0;
	s11 =	sor.u32 s30, s9;
	s9 =	sshll.u32 s9, $0x5;
	s7 =	sadd.s32 s7, s10  }
0xb: {  	v14 =	vor.u32 $0x50, v0;
	v15 =	vor.u32 $0x60, v0;
	v16 =	vor.u32 $0x70, v0;
	s31 =	ssub.s32 s4, s12;
	s10 =	simm.s32 $0x100;
	s11 =	sshll.u32 s11, $0xA  }
0xc: {  	s12 =	simm.s32 $0x180;
	s5 =	sor.u32 s5, s9;
	s9 =	simm.s32 $0x80;
	v1 =	vmov s11;
	v2 =	vadd.s32 s11, v2;
	v3 =	vadd.s32 s11, v3  }
0xd: {  	v4 =	vadd.s32 s11, v4;
	v5 =	vadd.s32 s11, v5;
	v6 =	vadd.s32 s11, v6;
	s4 =	sadd.s32 s6, s5;
	s5 =	sadd.s32 s8, s5;
	s6 =	sadd.s32 $0x600, s7  }
0xe: {  	v7 =	vadd.s32 s11, v7;
	v8 =	vadd.s32 s11, v8;
	v9 =	vadd.s32 s11, v9;
	s7 =	smax.u32 s31, $0x1;
	s8 =	simm.s32 $0x2;
	s11 =	simm.s32 $0x200  }
.LBB2_1:
0xf: {  	[tilespmem:s3], [sflag:$0x2] =	stream.linear.gather [hbm4b:s4+s3], $0x80, $0x38;
	[tilespmem:$0x380] =	vst v63  }
0x10: {  	_ =	swait.ge [sflag:s8], $0x80  }
0x11: {  	[sflag:s8] =	ssyncset.done $0x0  }
0x12: {  	[sflag:s8] =	ssyncadd.s32 $0xFFFFFF80  }
0x13: {  	[tilespmem:s9], [sflag:$0x2] =	stream.linear.gather [hbm4b:s5+s3], $0x80, $0x38;
	[tilespmem:$0x380] =	vst v63  }
0x14: {  	_ =	swait.ge [sflag:s8], $0x80  }
0x15: {  	[sflag:s8] =	ssyncset.done $0x0  }
0x16: {  	[sflag:s8] =	ssyncadd.s32 $0xFFFFFF80  }
0x17: {  	v17 =	vld [tilespmem:$0x0]  }
0x18: {  	v18 =	vld [tilespmem:$0x80]  }
0x19: {  	v19 =	vld [tilespmem:$0x10]  }
0x1a: {  	v22 =	vld [tilespmem:$0x90]  }
0x1b: {  	v51 =	vld [tilespmem:$0x20]  }
0x1c: {  	v23 =	vld [tilespmem:$0xA0]  }
0x1d: {  	v25 =	vld [tilespmem:$0x30]  }
0x1e: {  	v55 =	vld [tilespmem:$0xB0]  }
0x1f: {  	v57 =	vld [tilespmem:$0x40]  }
0x20: {  	v28 =	vld [tilespmem:$0xC0]  }
0x21: {  	v59 =	vld [tilespmem:$0x50]  }
0x22: {  	v29 =	vld [tilespmem:$0xD0]  }
0x23: {  	v31 =	vld [tilespmem:$0x60];
	v20 =	vshll.u32 v17, $0xB;
	v21 =	vshll.u32 v18, $0xB  }
0x24: {  	v63 =	vld [tilespmem:$0xE0];
	v18 =	vshll.u32 v18, $0x7;
	v17 =	vshll.u32 v17, $0x7;
	v52 =	vshll.u32 v19, $0xB  }
0x25: {  	v38 =	vld [tilespmem:$0x70];
	v19 =	vshll.u32 v19, $0x7;
	v24 =	vshll.u32 v22, $0xB;
	v22 =	vshll.u32 v22, $0x7  }
0x26: {  	v41 =	vld [tilespmem:$0xF0];
	v54 =	vshll.u32 v51, $0xB;
	v26 =	vshll.u32 v23, $0xB;
	v23 =	vshll.u32 v23, $0x7  }
0x27: {  	v58 =	vshll.u32 v25, $0xB;
	v27 =	vshll.u32 v55, $0xB;
	v25 =	vshll.u32 v25, $0x7  }
0x28: {  	v60 =	vshll.u32 v57, $0xB;
	v30 =	vshll.u32 v28, $0xB;
	v28 =	vshll.u32 v28, $0x7  }
0x29: {  	v62 =	vshll.u32 v59, $0xB;
	v32 =	vshll.u32 v29, $0xB;
	v34 =	vshll.u32 v29, $0x7  }
0x2a: {  	v39 =	vshll.u32 v31, $0xB;
	v40 =	vshll.u32 v63, $0xB;
	v42 =	vshll.u32 v63, $0x7  }
0x2b: {  	v43 =	vshll.u32 v31, $0x7;
	v45 =	vshll.u32 v38, $0xB;
	v46 =	vshll.u32 v41, $0xB  }
0x2c: {  	v48 =	vshll.u32 v41, $0x7;
	v20 =	vand.u32 $0xFFFFC000, v20;
	v21 =	vand.u32 $0xFFFFC000, v21  }
0x2d: {  	v18 =	vand.u32 $0x380, v18;
	v17 =	vand.u32 $0x380, v17;
	v19 =	vand.u32 $0x380, v19  }
0x2e: {  	v24 =	vand.u32 $0xFFFFC000, v24;
	v22 =	vand.u32 $0x380, v22;
	v26 =	vand.u32 $0xFFFFC000, v26  }
0x2f: {  	v23 =	vand.u32 $0x380, v23;
	v27 =	vand.u32 $0xFFFFC000, v27;
	v25 =	vand.u32 $0x380, v25  }
0x30: {  	v30 =	vand.u32 $0xFFFFC000, v30;
	v28 =	vand.u32 $0x380, v28;
	v33 =	vand.u32 $0xFFFFC000, v32  }
0x31: {  	v36 =	vand.u32 $0x380, v34;
	v47 =	vand.u32 $0xFFFFC000, v46;
	v49 =	vand.u32 $0x380, v48  }
0x32: {  	v21 =	vadd.s32 v1, v21;
	v20 =	vadd.s32 v20, v2;
	v24 =	vadd.s32 v1, v24  }
0x33: {  	v26 =	vadd.s32 v1, v26;
	v27 =	vadd.s32 v1, v27;
	v30 =	vadd.s32 v1, v30  }
0x34: {  	v35 =	vadd.s32 v1, v33;
	v18 =	vor.u32 v18, v21;
	v17 =	vor.u32 v17, v20  }
0x35: {  	v20 =	vand.u32 $0xFFFFC000, v52;
	v53 =	vor.u32 v22, v24;
	v22 =	vand.u32 $0xFFFFC000, v54  }
0x36: {  	v21 =	vshll.u32 v51, $0x7;
	v56 =	vor.u32 v23, v26;
	v26 =	vand.u32 $0xFFFFC000, v58  }
0x37: {  	v24 =	vshll.u32 v55, $0x7;
	v23 =	vshll.u32 v57, $0x7;
	v61 =	vor.u32 v28, v30  }
0x38: {  	v30 =	vshll.u32 v59, $0x7;
	v18 =	vor.u32 v0, v18;
	v20 =	vadd.s32 v20, v3;
	[tilespmem:$0x100] =	vst v17  }
0x39: {  	v21 =	vand.u32 $0x380, v21;
	v22 =	vadd.s32 v22, v4;
	v37 =	vor.u32 v13, v61;
	[tilespmem:$0x180] =	vst v18  }
0x3a: {  	v24 =	vand.u32 $0x380, v24;
	v26 =	vadd.s32 v26, v5;
	v19 =	vor.u32 v19, v20;
	[tilespmem:$0x1C0] =	vst v37  }
0x3b: {  	v23 =	vand.u32 $0x380, v23;
	v20 =	vor.u32 v10, v53;
	v21 =	vor.u32 v21, v22;
	[tilespmem:$0x110] =	vst v19  }
0x3c: {  	v22 =	vor.u32 v11, v56;
	v24 =	vor.u32 v24, v27;
	v25 =	vor.u32 v25, v26;
	[tilespmem:$0x190] =	vst v20  }
0x3d: {  	v26 =	vand.u32 $0xFFFFC000, v60;
	v18 =	vand.u32 $0xFFFFC000, v62;
	v24 =	vor.u32 v12, v24;
	[tilespmem:$0x120] =	vst v21  }
0x3e: {  	v26 =	vadd.s32 v26, v6;
	v19 =	vand.u32 $0x380, v30;
	v18 =	vadd.s32 v18, v7;
	[tilespmem:$0x1A0] =	vst v22  }
0x3f: {  	[tilespmem:$0x130] =	vst v25;
	v22 =	vand.u32 $0xFFFFC000, v39;
	v25 =	vand.u32 $0x380, v42;
	v20 =	vshll.u32 v38, $0x7  }
0x40: {  	v17 =	vor.u32 v23, v26;
	v18 =	vor.u32 v19, v18;
	v19 =	vor.u32 v36, v35;
	[tilespmem:$0x1B0] =	vst v24  }
0x41: {  	v23 =	vand.u32 $0xFFFFC000, v40;
	v22 =	vadd.s32 v22, v8;
	v19 =	vor.u32 v14, v19;
	[tilespmem:$0x140] =	vst v17  }
0x42: {  	v23 =	vadd.s32 v1, v23;
	v17 =	vand.u32 $0x380, v43;
	[tilespmem:$0x150] =	vst v18;
	v18 =	vand.u32 $0xFFFFC000, v45  }
0x43: {  	v23 =	vor.u32 v25, v23;
	v17 =	vor.u32 v17, v22;
	[tilespmem:$0x1D0] =	vst v19;
	v19 =	vand.u32 $0x380, v20  }
0x44: {  	v44 =	vor.u32 v15, v23;
	[tilespmem:$0x160] =	vst v17;
	v17 =	vadd.s32 v18, v9;
	v18 =	vadd.s32 v1, v47  }
0x45: {  	[tilespmem:$0x1E0] =	vst v44;
	v17 =	vor.u32 v19, v17;
	v18 =	vor.u32 v49, v18  }
0x46: {  	[tilespmem:$0x170] =	vst v17;
	v17 =	vor.u32 v16, v18  }
0x47: {  	[tilespmem:$0x1F0] =	vst v17  }
0x48: {  	[tilespmem:s11], [sflag:$0x1] =	stream.indirect.gather [hbm4b:s1+s9], $0x1, s10, s9, $0xb8;
	[tilespmem:$0x380] =	vst v63  }
0x49: {  	_ = 	snop  }
0x4a: {  	[tilespmem:s13], [sflag:$0x1] =	stream.indirect.gather [hbm4b:s1+s9], $0x1, s12, s9, $0xb8;
	[tilespmem:$0x380] =	vst v63  }
0x4b: {  	_ =	swait.ge [sflag:s14], $0x80  }
0x4c: {  	[sflag:s14] =	ssyncset.done $0x0  }
0x4d: {  	[sflag:s14] =	ssyncadd.s32 $0xFFFFFF80  }
0x4e: {  	_ =	swait.ge [sflag:s14], $0x80  }
0x4f: {  	[sflag:s14] =	ssyncset.done $0x0  }
0x50: {  	[sflag:s14] =	ssyncadd.s32 $0xFFFFFF80  }
0x51: {  	v17 =	vld [tilespmem:$0x0]  }
0x52: {  	v18 =	vld [tilespmem:$0x80]  }
0x53: {  	v19 =	vld [tilespmem:$0x200]  }
0x54: {  	v50 =	vld [tilespmem:$0x280]  }
0x55: {  	v51 =	vld [tilespmem:$0x10]  }
0x56: {  	v52 =	vld [tilespmem:$0x90]  }
0x57: {  	v53 =	vld [tilespmem:$0x210]  }
0x58: {  	v54 =	vld [tilespmem:$0x290]  }
0x59: {  	v55 =	vld [tilespmem:$0x20]  }
0x5a: {  	v56 =	vld [tilespmem:$0xA0]  }
0x5b: {  	v57 =	vld [tilespmem:$0x220]  }
0x5c: {  	v59 =	vld [tilespmem:$0x30]  }
0x5d: {  	v60 =	vld [tilespmem:$0xB0]  }
0x5e: {  	v62 =	vld [tilespmem:$0x230]  }
0x5f: {  	v37 =	vld [tilespmem:$0x40]  }
0x60: {  	v38 =	vld [tilespmem:$0xC0];
	v19 =	vadd.f32 $9.999999680e-21, v19  }
0x61: {  	v45 =	vld [tilespmem:$0x250];
	vm0 =	veq.s32 v17, $0x1;
	vm1 =	veq.s32 v18, $0x1;
	v23 =	vadd.f32 $9.999999680e-21, v53  }
0x62: {  	v63 =	vld [tilespmem:$0x2B0];
	vm6 =	veq.s32 v51, $0x1;
	vm2 =	veq.s32 v52, $0x1;
	vm8 =	veq.s32 v18, $0x0  }
0x63: {  	v41 =	vld [tilespmem:$0x2C0];
	vm9 =	veq.s32 v52, $0x0;
	v39 =	vadd.f32 $9.999999680e-21, v57;
	vm10 =	veq.s32 v55, $0x1  }
0x64: {  	v40 =	vld [tilespmem:$0x240];
	vm11 =	veq.s32 v56, $0x1;
	v30 =	vadd.f32 $9.999999680e-21, v62;
	vm12 =	veq.s32 v59, $0x1  }
0x65: {  	v43 =	vld [tilespmem:$0x50];
	vm13 =	veq.s32 v60, $0x1;
	vm14 =	veq.s32 v37, $0x1;
	vm15 =	veq.s32 v38, $0x1  }
0x66: {  	v34 =	vld [tilespmem:$0xE0];
	vm4 =	veq.s32 v56, $0x0;
	vm5 =	veq.s32 v60, $0x0;
	v55 =	vadd.f32 $9.999999680e-21, v45  }
0x67: {  	v17 =	vld [tilespmem:$0x2A0];
	v58 =	vsel vm1, $0x0, v50;
	v61 =	vsel vm2, $0x0, v54;
	vm7 =	vmand vm6, vm2  }
0x68: {  	v51 =	vld [tilespmem:$0x2E0];
	v32 =	vsel vm13, $0x0, v63;
	v47 =	vsel vm15, $0x0, v41;
	v19 =	vsel vm0, $0x1E3CE508, v19  }
0x69: {  	v53 =	vld [tilespmem:$0x70];
	vm0 =	vmand vm0, vm1;
	v23 =	vsel vm6, $0x1E3CE508, v23;
	v36 =	vnsel vm7, $0x0, v54  }
0x6a: {  	v56 =	vld [tilespmem:$0x270];
	v22 =	vsel vm10, $0x1E3CE508, v39;
	v29 =	vsel vm12, $0x1E3CE508, v30;
	vm6 =	veq.s32 v38, $0x0  }
0x6b: {  	v57 =	vld [tilespmem:$0xF0];
	vm7 =	veq.s32 v43, $0x1;
	v19 =	vadd.f32 v58, v19;
	v23 =	vadd.f32 v61, v23  }
0x6c: {  	v44 =	vld [tilespmem:$0xD0];
	v20 =	vnsel vm0, $0x0, v50;
	vm0 =	vmand vm10, vm11;
	v29 =	vadd.f32 v32, v29  }
0x6d: {  	v59 =	vld [tilespmem:$0x2F0];
	vm10 =	veq.s32 v34, $0x1;
	v19 =	vadd.f32 v19, v20;
	v18 =	vadd.f32 v23, v36  }
0x6e: {  	v42 =	vsel vm11, $0x0, v17;
	v17 =	vnsel vm0, $0x0, v17;
	vm0 =	vmand vm12, vm13  }
0x6f: {  	v46 =	vld [tilespmem:$0x60];
	v23 =	vadd.f32 $9.999999680e-21, v40;
	v20 =	vsel vm7, $0x1E3CE508, v55;
	v61 =	vsel vm10, $0x0, v51  }
0x70: {  	v33 =	vld [tilespmem:$0x2D0];
	v26 =	vadd.f32 $9.999999680e-21, v56;
	vm11 =	veq.s32 v53, $0x1;
	vm12 =	veq.s32 v57, $0x1  }
0x71: {  	v49 =	vld [tilespmem:$0x260];
	vm13 =	veq.s32 v44, $0x0;
	v22 =	vadd.f32 v42, v22;
	v28 =	vnsel vm0, $0x0, v63  }
0x72: {  	vm0 =	vmand vm14, vm15;
	v62 =	vsel vm12, $0x0, v59;
	v19 =	vsel vm8, $0x3F800000, v19  }
0x73: {  	v18 =	vsel vm9, $0x3F800000, v18;
	v23 =	vsel vm14, $0x1E3CE508, v23;
	v50 =	vadd.f32 v29, v28  }
0x74: {  	v25 =	vnsel vm0, $0x0, v41;
	vm8 =	veq.s32 v44, $0x1;
	vm9 =	veq.s32 v46, $0x1  }
0x75: {  	v17 =	vadd.f32 v22, v17;
	v48 =	vadd.f32 v47, v23;
	v58 =	vsel vm8, $0x0, v33  }
0x76: {  	v23 =	vadd.f32 $9.999999680e-21, v49;
	vm0 =	vmand vm7, vm8;
	vm1 =	vmand vm9, vm10  }
0x77: {  	v22 =	vsel vm11, $0x1E3CE508, v26;
	v54 =	vsel vm5, $0x3F800000, v50;
	v20 =	vadd.f32 v58, v20  }
0x78: {  	[tilespmem:$0x300] =	vst v19;
	v60 =	vnsel vm0, $0x0, v33;
	v19 =	vnsel vm1, $0x0, v51;
	v23 =	vsel vm9, $0x1E3CE508, v23  }
0x79: {  	[tilespmem:$0x310] =	vst v18;
	v17 =	vsel vm4, $0x3F800000, v17;
	v52 =	vadd.f32 v48, v25;
	v18 =	vadd.f32 v61, v23  }
0x7a: {  	v63 =	vadd.f32 v62, v22;
	vm0 =	vmand vm11, vm12;
	[tilespmem:$0x320] =	vst v17;
	v17 =	vadd.f32 v20, v60  }
0x7b: {  	[tilespmem:$0x330] =	vst v54;
	v21 =	vsel vm6, $0x3F800000, v52;
	v18 =	vadd.f32 v18, v19;
	v19 =	vnsel vm0, $0x0, v59  }
0x7c: {  	vm14 =	veq.s32 v34, $0x0;
	[tilespmem:$0x340] =	vst v21;
	v17 =	vsel vm13, $0x3F800000, v17;
	v19 =	vadd.f32 v63, v19  }
0x7d: {  	vm15 =	veq.s32 v57, $0x0;
	[tilespmem:$0x350] =	vst v17;
	v17 =	vsel vm14, $0x3F800000, v18  }
0x7e: {  	p0 =	sne.s32 s7, $0x1;
	[tilespmem:$0x360] =	vst v17;
	v17 =	vsel vm15, $0x3F800000, v19  }
.Ltmp0:
0x7f: {  	[tilespmem:$0x370] =	vst v17;
	(pc) =	sbr.rel @p0 .LBB2_1-.Ltmp0, $4  }
0x80: {  	[hbm4b:s6+s3] =	stream.linear.scatter [tilespmem:s15], [sflag:$0x2], $0x80, $0x38;
	[tilespmem:$0x380] =	vst v63  }
0x81: {  	_ =	swait.ge [sflag:s8], $0x80  }
0x82: {  	[sflag:s8] =	ssyncset.done $0x0  }
0x83: {  	s7 =	sadd.s32 $0xFFFFFFFF, s7;
	[sflag:s8] =	ssyncadd.s32 $0xFFFFFF80  }
0x84: {  	_ =	sfence.sel $0x180000  }
0x85: {  	[bflag:$0x0] =	sbarrier.arrive $0xFFFF  }
0x86: {  	p0 =	sne.s32 s0, $0x0;
	_ =	strace $0x90000047  }
0x87: {  	s0 =	sadd.s32 @!p0 $0x100000, s2;
	[bflag:$0x2] =	sbarrier.arrive $0xFFFF  }
0x88: {  	[sflag:s0] =	ssyncadd.tile.s32 @!p0 $0x1;
	_ =	shalt  }
.Lfunc_end2:
_tile_overlayer_lowered:
.L_overlay_start_2:
0x89: {  	(tag) =	ssettag $0x2  }
0x8a: {  	s0 =	rddreg [dreg:$0x0];
	s2 =	stileid.u32  }
0x8b: {  	s1 =	rddreg [dreg:$0x1];
	p0 =	sne.s32 s2, $0x0  }
0x8c: {  	s3 =	rddreg [dreg:$0x2];
	[bflag:$0x3] =	sbarrier.arrive $0xFFFF;
	s2 =	simm.s32 @!p0 $0x1C02  }
0x8d: {  	[timem:s3], [sflag:s2] =	dma.local @!p0 [hbm:s0], s1  }
0x8e: {  	s0 =	simm.s32 @!p0 $0x2  }
0x8f: {  	_ =	swait.ge @!p0 [sflag:s0], s1  }
0x90: {  	s1 =	ssub.s32 @!p0 $0x0, s1;
	[sflag:s0] =	ssyncset.done @!p0 $0x0  }
0x91: {  	[sflag:s0] =	ssyncadd.s32 @!p0 s1  }
0x92: {  	[bflag:$0x3] =	sbarrier.arrive $0xFFFF  }
0x93: {  	_ =	shalt  }

</sc_bundles>
